<compile_context>
chip_gen: v7x
topology: tpu7x:2x2x1
jax: 0.10.2.dev20260603
libtpu: 0.0.44.dev20260713+nightly
codegen_flags: <defaults>
</compile_context>

<pallas_src>
import jax
import jax.numpy as jnp
from jax import lax
from jax.experimental import pallas as pl
from jax.experimental.pallas import tpu as pltpu
from jax.experimental.pallas import tpu_sc as plsc

B, A = 16384, 200
L = 16
NC, NS = 2, 16
NW = NC * NS
BPW = B // NW
GROUPS = BPW // L
ATILES = A // 8


def _gather_tab(tab, sv):
    return lax.gather(
        tab, sv[:, None],
        lax.GatherDimensionNumbers(
            offset_dims=(), collapsed_slice_dims=(0,),
            start_index_map=(0,)),
        slice_sizes=(1,),
        mode=lax.GatherScatterMode.PROMISE_IN_BOUNDS)


def _body(spt_hbm, table_hbm, outsp_hbm, out_hbm,
          buf, tab_v, out_v, sem, semw):
    wid = lax.axis_index("s") * NC + lax.axis_index("c")
    b0 = wid * BPW

    pltpu.sync_copy(table_hbm, tab_v.at[pl.ds(0, 7)])
    tab = tab_v[...]

    copies = [
        pltpu.async_copy(
            spt_hbm.at[pl.ds(ch * 200, 200), pl.ds(b0, BPW)],
            buf.at[pl.ds(ch * 200, 200), :], sem)
        for ch in range(1)
    ]
    for c in copies:
        c.wait()
    wbs = [
        pltpu.async_copy(
            buf.at[pl.ds(ch * 200, 200), :],
            outsp_hbm.at[pl.ds(ch * 200, 200), pl.ds(b0, BPW)], semw)
        for ch in range(1)
    ]

    zero = jnp.zeros((L,), jnp.float32)
    for g in range(0, GROUPS, 2):
        G = g * L

        @plsc.parallel_loop(0, A, 1, unroll=8,
                            carry=(zero, zero, zero, zero))
        def acc_loop(a, accs, G=G):
            a0, a1, b0_, b1 = accs
            sva = buf[a, pl.ds(G, L)]
            svb = buf[a, pl.ds(G + L, L)]
            return (a1, a0 + _gather_tab(tab, sva),
                    b1, b0_ + _gather_tab(tab, svb))

        a0, a1, b0_, b1 = acc_loop
        out_v[pl.ds(G, L)] = a0 + a1
        out_v[pl.ds(G + L, L)] = b0_ + b1

    pltpu.sync_copy(out_v, out_hbm.at[pl.ds(b0, BPW)])
    for w in wbs:
        w.wait()


_mesh = plsc.VectorSubcoreMesh(core_axis_name="c", subcore_axis_name="s",
                               num_cores=NC, num_subcores=NS)

_sc_call = pl.kernel(
    _body,
    out_type=(jax.ShapeDtypeStruct((A, B), jnp.int32),
              jax.ShapeDtypeStruct((B,), jnp.float32)),
    mesh=_mesh,
    scratch_types=[
        pltpu.VMEM((A, BPW), jnp.int32),
        pltpu.VMEM((L,), jnp.float32),
        pltpu.VMEM((BPW,), jnp.float32),
        pltpu.SemaphoreType.DMA,
        pltpu.SemaphoreType.DMA,
    ],
    compiler_params=pltpu.CompilerParams(use_tc_tiling_on_sc=True,
                                         needs_layout_passes=False),
    name="energy_shifter_sc",
)


def kernel(species, energies, self_energies, intercept):
    tab7 = self_energies.astype(jnp.float32) + intercept / A
    spt_out, out = _sc_call(species.T, tab7)
    return (spt_out.T, out)

# --- scband reference (transcript-rebuilt; emitter-appended) ---
"""Pipeline reference for scband-energy-shifter-48627619725686 (READ-ONLY COPY).

The authoritative reference and input builder live on the scoring server;
editing this copy changes nothing except your own understanding.
"""

import jax, jax.numpy as jnp
import numpy as np

SELF_ENERGIES = np.array([-0.5978583943827134, -38.08933878049795, -54.711968298621066, -75.19106774742086, -398.1577125334925, -99.80348506781634, -460.1681939421027], dtype=np.float32)

B, A = 16384, 200
NUM_SPECIES = 7

def setup_inputs(seed: int = 0) -> dict:
    key = jax.random.key(seed)
    k1, k2 = jax.random.split(key)
    species = jax.random.randint(k1, (B, A), 0, NUM_SPECIES, dtype=jnp.int32)
    energies = jax.random.normal(k2, (B,), dtype=jnp.float32)
    self_energies = jnp.asarray(SELF_ENERGIES)
    intercept = jnp.asarray(0.0, dtype=jnp.float32)
    return {"species": species, "energies": energies, "self_energies": self_energies, "intercept": intercept}

def reference(species, energies, self_energies, intercept):
    # self_energies[species]: embedding gather over the species table
    se = jnp.take(self_energies, species, axis=0)
    # dummy (padding) atoms have species == -1 -> self energy 0.0
    se = jnp.where(species == -1, jnp.asarray(0.0, se.dtype), se)
    # sum over atoms dim, add intercept; input molecular energies are overwritten (as in torch code)
    out_energies = se.sum(axis=1) + intercept
    return (species, out_energies)

if __name__ == "__main__":
    import jax
    _d = setup_inputs()
    print(jax.jit(kernel)(*tuple(_d.values())))

</pallas_src>

<mosaic_0001>
#map = affine_map<(d0, d1) -> (0, 0)>
#map1 = affine_map<(d0, d1) -> (0)>
module attributes {stable_mosaic.version = 14 : i64} {
  func.func @energy_shifter_sc(%arg0: i32, %arg1: i32, %arg2: memref<200x16384xi32, #tpu.memory_space<hbm>>, %arg3: memref<7xf32, #tpu.memory_space<hbm>>, %arg4: memref<200x16384xi32, #tpu.memory_space<hbm>>, %arg5: memref<16384xf32, #tpu.memory_space<hbm>>, %arg6: memref<200x512xi32, #tpu.memory_space<vmem>>, %arg7: memref<16xf32, #tpu.memory_space<vmem>>, %arg8: memref<512xf32, #tpu.memory_space<vmem>>, %arg9: memref<!tpu.dma_semaphore, #tpu.memory_space<semaphore_mem>>, %arg10: memref<!tpu.dma_semaphore, #tpu.memory_space<semaphore_mem>>) attributes {dimension_semantics = [#tpu.dimension_semantics<core_parallel>, #tpu.dimension_semantics<subcore_parallel>], iteration_bounds = array<i64: 2, 16>, scalar_prefetch = 0 : i64, scratch_operands = 5 : i64, tpu.core_type = #tpu.core_type<sc_vector_subcore>, window_params = [{transform_indices = #map}, {transform_indices = #map1}, {transform_indices = #map}, {transform_indices = #map1}]} {
    %mul3A = arith.constant 2 : i32
    %mul3A_0 = arith.muli %arg1, %mul3A : i32
    %add3A = arith.addi %mul3A_0, %arg0 : i32
    %mul3A_1 = arith.constant 512 : i32
    %mul3A_2 = arith.muli %add3A, %mul3A_1 : i32
    "tpu.region"() ({
      %run_scoped3A = tpu.sem_alloc : memref<!tpu.dma_semaphore, #tpu.memory_space<semaphore_mem>>
      %dma_start3A_201 = arith.constant 0 : i32
      %dma_start3A_202 = tpu.memref_slice %arg7[%dma_start3A_201] : memref<16xf32, #tpu.memory_space<vmem>> -> memref<7xf32, #tpu.memory_space<vmem>>
      %dma_start3A_203 = arith.constant 0 : i32
      %dma_start3A_204 = tpu.memref_slice %arg7[%dma_start3A_203] : memref<16xf32, #tpu.memory_space<vmem>> -> memref<7xf32, #tpu.memory_space<vmem>>
      tpu.enqueue_dma source(%arg3 : memref<7xf32, #tpu.memory_space<hbm>>) target(%dma_start3A_204 : memref<7xf32, #tpu.memory_space<vmem>>) target_semaphore(%run_scoped3A : memref<!tpu.dma_semaphore, #tpu.memory_space<semaphore_mem>>)
      %dma_wait3A_205 = arith.constant 0 : i32
      %dma_wait3A_206 = tpu.memref_slice %arg7[%dma_wait3A_205] : memref<16xf32, #tpu.memory_space<vmem>> -> memref<7xf32, #tpu.memory_space<vmem>>
      %dma_wait3A_207 = arith.constant 0 : i32
      %dma_wait3A_208 = tpu.memref_slice %arg7[%dma_wait3A_207] : memref<16xf32, #tpu.memory_space<vmem>> -> memref<7xf32, #tpu.memory_space<vmem>>
      tpu.wait_dma2 semaphore(%run_scoped3A : memref<!tpu.dma_semaphore, #tpu.memory_space<semaphore_mem>>) src(%arg3 : memref<7xf32, #tpu.memory_space<hbm>>) dst(%dma_wait3A_208 : memref<7xf32, #tpu.memory_space<vmem>>)
      tpu.yield
    }) : () -> ()
    %get3A = arith.constant 0 : index
    %get3A_3 = tpu.vector_load %arg7[%get3A] {strides = array<i32>} : memref<16xf32, #tpu.memory_space<vmem>>, vector<16xf32>,
    %dma_start3A = arith.constant 0 : i32
    %dma_start3A_4 = arith.constant 0 : i32
    %dma_start3A_5 = tpu.memref_slice %arg6[%dma_start3A, %dma_start3A_4] : memref<200x512xi32, #tpu.memory_space<vmem>> -> memref<200x512xi32, #tpu.memory_space<vmem>>
    %dma_start3A_6 = arith.constant 0 : i32
    %dma_start3A_7 = tpu.memref_slice %arg2[%dma_start3A_6, %mul3A_2] : memref<200x16384xi32, #tpu.memory_space<hbm>> -> memref<200x512xi32, #tpu.memory_space<hbm>>
    %dma_start3A_8 = arith.constant 0 : i32
    %dma_start3A_9 = arith.constant 0 : i32
    %dma_start3A_10 = tpu.memref_slice %arg6[%dma_start3A_8, %dma_start3A_9] : memref<200x512xi32, #tpu.memory_space<vmem>> -> memref<200x512xi32, #tpu.memory_space<vmem>>
    %dma_start3A_11 = arith.constant 0 : i32
    %dma_start3A_12 = tpu.memref_slice %arg2[%dma_start3A_11, %mul3A_2] : memref<200x16384xi32, #tpu.memory_space<hbm>> -> memref<200x512xi32, #tpu.memory_space<hbm>>
    tpu.enqueue_dma source(%dma_start3A_12 : memref<200x512xi32, #tpu.memory_space<hbm>>) target(%dma_start3A_10 : memref<200x512xi32, #tpu.memory_space<vmem>>) target_semaphore(%arg9 : memref<!tpu.dma_semaphore, #tpu.memory_space<semaphore_mem>>)
    %dma_wait3A = arith.constant 0 : i32
    %dma_wait3A_13 = arith.constant 0 : i32
    %dma_wait3A_14 = tpu.memref_slice %arg6[%dma_wait3A, %dma_wait3A_13] : memref<200x512xi32, #tpu.memory_space<vmem>> -> memref<200x512xi32, #tpu.memory_space<vmem>>
    %dma_wait3A_15 = arith.constant 0 : i32
    %dma_wait3A_16 = tpu.memref_slice %arg2[%dma_wait3A_15, %mul3A_2] : memref<200x16384xi32, #tpu.memory_space<hbm>> -> memref<200x512xi32, #tpu.memory_space<hbm>>
    %dma_wait3A_17 = arith.constant 0 : i32
    %dma_wait3A_18 = arith.constant 0 : i32
    %dma_wait3A_19 = tpu.memref_slice %arg6[%dma_wait3A_17, %dma_wait3A_18] : memref<200x512xi32, #tpu.memory_space<vmem>> -> memref<200x512xi32, #tpu.memory_space<vmem>>
    %dma_wait3A_20 = arith.constant 0 : i32
    %dma_wait3A_21 = tpu.memref_slice %arg2[%dma_wait3A_20, %mul3A_2] : memref<200x16384xi32, #tpu.memory_space<hbm>> -> memref<200x512xi32, #tpu.memory_space<hbm>>
    tpu.wait_dma2 semaphore(%arg9 : memref<!tpu.dma_semaphore, #tpu.memory_space<semaphore_mem>>) src(%dma_wait3A_21 : memref<200x512xi32, #tpu.memory_space<hbm>>) dst(%dma_wait3A_19 : memref<200x512xi32, #tpu.memory_space<vmem>>)
    %dma_start3A_22 = arith.constant 0 : i32
    %dma_start3A_23 = arith.constant 0 : i32
    %dma_start3A_24 = tpu.memref_slice %arg6[%dma_start3A_22, %dma_start3A_23] : memref<200x512xi32, #tpu.memory_space<vmem>> -> memref<200x512xi32, #tpu.memory_space<vmem>>
    %dma_start3A_25 = arith.constant 0 : i32
    %dma_start3A_26 = tpu.memref_slice %arg4[%dma_start3A_25, %mul3A_2] : memref<200x16384xi32, #tpu.memory_space<hbm>> -> memref<200x512xi32, #tpu.memory_space<hbm>>
    %dma_start3A_27 = arith.constant 0 : i32
    %dma_start3A_28 = tpu.memref_slice %arg4[%dma_start3A_27, %mul3A_2] : memref<200x16384xi32, #tpu.memory_space<hbm>> -> memref<200x512xi32, #tpu.memory_space<hbm>>
    %dma_start3A_29 = arith.constant 0 : i32
    %dma_start3A_30 = arith.constant 0 : i32
    %dma_start3A_31 = tpu.memref_slice %arg6[%dma_start3A_29, %dma_start3A_30] : memref<200x512xi32, #tpu.memory_space<vmem>> -> memref<200x512xi32, #tpu.memory_space<vmem>>
    tpu.enqueue_dma source(%dma_start3A_31 : memref<200x512xi32, #tpu.memory_space<vmem>>) target(%dma_start3A_28 : memref<200x512xi32, #tpu.memory_space<hbm>>) target_semaphore(%arg10 : memref<!tpu.dma_semaphore, #tpu.memory_space<semaphore_mem>>)
    %broadcast_in_dim3A = arith.constant 0.000000e+00 : f32
    %broadcast_in_dim3A_32 = vector.broadcast %broadcast_in_dim3A : f32 to vector<16xf32>
    %parallel_loop3A = arith.constant 0 : i32
    %parallel_loop3A_33 = arith.constant 200 : i32
    %parallel_loop3A_34 = arith.constant 1 : i32
    %parallel_loop3A_35:4 = scf.for %parallel_loop3A_201 = %parallel_loop3A to %parallel_loop3A_33 step %parallel_loop3A_34 iter_args(%parallel_loop3A_202 = %broadcast_in_dim3A_32, %parallel_loop3A_203 = %broadcast_in_dim3A_32, %parallel_loop3A_204 = %broadcast_in_dim3A_32, %parallel_loop3A_205 = %broadcast_in_dim3A_32) -> (vector<16xf32>, vector<16xf32>, vector<16xf32>, vector<16xf32>)  : i32 {
      %parallel_loop3A_206 = arith.index_cast %parallel_loop3A_201 : i32 to index
      %parallel_loop3A_207 = arith.constant 0 : index
      %parallel_loop3A_208 = tpu.vector_load %arg6[%parallel_loop3A_206, %parallel_loop3A_207] {strides = array<i32>} : memref<200x512xi32, #tpu.memory_space<vmem>>, vector<16xi32>,
      %parallel_loop3A_209 = arith.index_cast %parallel_loop3A_201 : i32 to index
      %parallel_loop3A_210 = arith.constant 16 : index
      %parallel_loop3A_211 = tpu.vector_load %arg6[%parallel_loop3A_209, %parallel_loop3A_210] {strides = array<i32>} : memref<200x512xi32, #tpu.memory_space<vmem>>, vector<16xi32>,
      %parallel_loop3A_212 = vector.shape_cast %parallel_loop3A_208 : vector<16xi32> to vector<16x1xi32>
      %parallel_loop3A_213 = vector.shape_cast %parallel_loop3A_212 : vector<16x1xi32> to vector<16xi32>
      %parallel_loop3A_214 = tpu.dynamic_gather %get3A_3[%parallel_loop3A_213] in [0] : vector<16xf32>, vector<16xi32> -> vector<16xf32>
      %parallel_loop3A_215 = arith.addf %parallel_loop3A_202, %parallel_loop3A_214 : vector<16xf32>
      %parallel_loop3A_216 = vector.shape_cast %parallel_loop3A_211 : vector<16xi32> to vector<16x1xi32>
      %parallel_loop3A_217 = vector.shape_cast %parallel_loop3A_216 : vector<16x1xi32> to vector<16xi32>
      %parallel_loop3A_218 = tpu.dynamic_gather %get3A_3[%parallel_loop3A_217] in [0] : vector<16xf32>, vector<16xi32> -> vector<16xf32>
      %parallel_loop3A_219 = arith.addf %parallel_loop3A_204, %parallel_loop3A_218 : vector<16xf32>
      scf.yield %parallel_loop3A_203, %parallel_loop3A_215, %parallel_loop3A_205, %parallel_loop3A_219 : vector<16xf32>, vector<16xf32>, vector<16xf32>, vector<16xf32>
    } {sc.loop_unroll_factor = 8 : i64, sc.parallel_access}
    %add3A_36 = arith.addf %parallel_loop3A_35#0, %parallel_loop3A_35#1 : vector<16xf32>
    %swap3A = arith.constant 0 : index
    %swap3A_37 = tpu.vector_load %arg8[%swap3A] {strides = array<i32>} : memref<512xf32, #tpu.memory_space<vmem>>, vector<16xf32>,
    tpu.vector_store %arg8[%swap3A], %add3A_36 {strides = array<i32>} : memref<512xf32, #tpu.memory_space<vmem>>, vector<16xf32>,
    %add3A_38 = arith.addf %parallel_loop3A_35#2, %parallel_loop3A_35#3 : vector<16xf32>
    %swap3A_39 = arith.constant 16 : index
    %swap3A_40 = tpu.vector_load %arg8[%swap3A_39] {strides = array<i32>} : memref<512xf32, #tpu.memory_space<vmem>>, vector<16xf32>,
    tpu.vector_store %arg8[%swap3A_39], %add3A_38 {strides = array<i32>} : memref<512xf32, #tpu.memory_space<vmem>>, vector<16xf32>,
    %parallel_loop3A_41 = arith.constant 0 : i32
    %parallel_loop3A_42 = arith.constant 200 : i32
    %parallel_loop3A_43 = arith.constant 1 : i32
    %parallel_loop3A_44:4 = scf.for %parallel_loop3A_201 = %parallel_loop3A_41 to %parallel_loop3A_42 step %parallel_loop3A_43 iter_args(%parallel_loop3A_202 = %broadcast_in_dim3A_32, %parallel_loop3A_203 = %broadcast_in_dim3A_32, %parallel_loop3A_204 = %broadcast_in_dim3A_32, %parallel_loop3A_205 = %broadcast_in_dim3A_32) -> (vector<16xf32>, vector<16xf32>, vector<16xf32>, vector<16xf32>)  : i32 {
      %parallel_loop3A_206 = arith.index_cast %parallel_loop3A_201 : i32 to index
      %parallel_loop3A_207 = arith.constant 32 : index
      %parallel_loop3A_208 = tpu.vector_load %arg6[%parallel_loop3A_206, %parallel_loop3A_207] {strides = array<i32>} : memref<200x512xi32, #tpu.memory_space<vmem>>, vector<16xi32>,
      %parallel_loop3A_209 = arith.index_cast %parallel_loop3A_201 : i32 to index
      %parallel_loop3A_210 = arith.constant 48 : index
      %parallel_loop3A_211 = tpu.vector_load %arg6[%parallel_loop3A_209, %parallel_loop3A_210] {strides = array<i32>} : memref<200x512xi32, #tpu.memory_space<vmem>>, vector<16xi32>,
      %parallel_loop3A_212 = vector.shape_cast %parallel_loop3A_208 : vector<16xi32> to vector<16x1xi32>
      %parallel_loop3A_213 = vector.shape_cast %parallel_loop3A_212 : vector<16x1xi32> to vector<16xi32>
      %parallel_loop3A_214 = tpu.dynamic_gather %get3A_3[%parallel_loop3A_213] in [0] : vector<16xf32>, vector<16xi32> -> vector<16xf32>
      %parallel_loop3A_215 = arith.addf %parallel_loop3A_202, %parallel_loop3A_214 : vector<16xf32>
      %parallel_loop3A_216 = vector.shape_cast %parallel_loop3A_211 : vector<16xi32> to vector<16x1xi32>
      %parallel_loop3A_217 = vector.shape_cast %parallel_loop3A_216 : vector<16x1xi32> to vector<16xi32>
      %parallel_loop3A_218 = tpu.dynamic_gather %get3A_3[%parallel_loop3A_217] in [0] : vector<16xf32>, vector<16xi32> -> vector<16xf32>
      %parallel_loop3A_219 = arith.addf %parallel_loop3A_204, %parallel_loop3A_218 : vector<16xf32>
      scf.yield %parallel_loop3A_203, %parallel_loop3A_215, %parallel_loop3A_205, %parallel_loop3A_219 : vector<16xf32>, vector<16xf32>, vector<16xf32>, vector<16xf32>
    } {sc.loop_unroll_factor = 8 : i64, sc.parallel_access}
    %add3A_45 = arith.addf %parallel_loop3A_44#0, %parallel_loop3A_44#1 : vector<16xf32>
    %swap3A_46 = arith.constant 32 : index
    %swap3A_47 = tpu.vector_load %arg8[%swap3A_46] {strides = array<i32>} : memref<512xf32, #tpu.memory_space<vmem>>, vector<16xf32>,
    tpu.vector_store %arg8[%swap3A_46], %add3A_45 {strides = array<i32>} : memref<512xf32, #tpu.memory_space<vmem>>, vector<16xf32>,
    %add3A_48 = arith.addf %parallel_loop3A_44#2, %parallel_loop3A_44#3 : vector<16xf32>
    %swap3A_49 = arith.constant 48 : index
    %swap3A_50 = tpu.vector_load %arg8[%swap3A_49] {strides = array<i32>} : memref<512xf32, #tpu.memory_space<vmem>>, vector<16xf32>,
    tpu.vector_store %arg8[%swap3A_49], %add3A_48 {strides = array<i32>} : memref<512xf32, #tpu.memory_space<vmem>>, vector<16xf32>,
    %parallel_loop3A_51 = arith.constant 0 : i32
    %parallel_loop3A_52 = arith.constant 200 : i32
    %parallel_loop3A_53 = arith.constant 1 : i32
    %parallel_loop3A_54:4 = scf.for %parallel_loop3A_201 = %parallel_loop3A_51 to %parallel_loop3A_52 step %parallel_loop3A_53 iter_args(%parallel_loop3A_202 = %broadcast_in_dim3A_32, %parallel_loop3A_203 = %broadcast_in_dim3A_32, %parallel_loop3A_204 = %broadcast_in_dim3A_32, %parallel_loop3A_205 = %broadcast_in_dim3A_32) -> (vector<16xf32>, vector<16xf32>, vector<16xf32>, vector<16xf32>)  : i32 {
      %parallel_loop3A_206 = arith.index_cast %parallel_loop3A_201 : i32 to index
      %parallel_loop3A_207 = arith.constant 64 : index
      %parallel_loop3A_208 = tpu.vector_load %arg6[%parallel_loop3A_206, %parallel_loop3A_207] {strides = array<i32>} : memref<200x512xi32, #tpu.memory_space<vmem>>, vector<16xi32>,
      %parallel_loop3A_209 = arith.index_cast %parallel_loop3A_201 : i32 to index
      %parallel_loop3A_210 = arith.constant 80 : index
      %parallel_loop3A_211 = tpu.vector_load %arg6[%parallel_loop3A_209, %parallel_loop3A_210] {strides = array<i32>} : memref<200x512xi32, #tpu.memory_space<vmem>>, vector<16xi32>,
      %parallel_loop3A_212 = vector.shape_cast %parallel_loop3A_208 : vector<16xi32> to vector<16x1xi32>
      %parallel_loop3A_213 = vector.shape_cast %parallel_loop3A_212 : vector<16x1xi32> to vector<16xi32>
      %parallel_loop3A_214 = tpu.dynamic_gather %get3A_3[%parallel_loop3A_213] in [0] : vector<16xf32>, vector<16xi32> -> vector<16xf32>
      %parallel_loop3A_215 = arith.addf %parallel_loop3A_202, %parallel_loop3A_214 : vector<16xf32>
      %parallel_loop3A_216 = vector.shape_cast %parallel_loop3A_211 : vector<16xi32> to vector<16x1xi32>
      %parallel_loop3A_217 = vector.shape_cast %parallel_loop3A_216 : vector<16x1xi32> to vector<16xi32>
      %parallel_loop3A_218 = tpu.dynamic_gather %get3A_3[%parallel_loop3A_217] in [0] : vector<16xf32>, vector<16xi32> -> vector<16xf32>
      %parallel_loop3A_219 = arith.addf %parallel_loop3A_204, %parallel_loop3A_218 : vector<16xf32>
      scf.yield %parallel_loop3A_203, %parallel_loop3A_215, %parallel_loop3A_205, %parallel_loop3A_219 : vector<16xf32>, vector<16xf32>, vector<16xf32>, vector<16xf32>
    } {sc.loop_unroll_factor = 8 : i64, sc.parallel_access}
    %add3A_55 = arith.addf %parallel_loop3A_54#0, %parallel_loop3A_54#1 : vector<16xf32>
    %swap3A_56 = arith.constant 64 : index
    %swap3A_57 = tpu.vector_load %arg8[%swap3A_56] {strides = array<i32>} : memref<512xf32, #tpu.memory_space<vmem>>, vector<16xf32>,
    tpu.vector_store %arg8[%swap3A_56], %add3A_55 {strides = array<i32>} : memref<512xf32, #tpu.memory_space<vmem>>, vector<16xf32>,
    %add3A_58 = arith.addf %parallel_loop3A_54#2, %parallel_loop3A_54#3 : vector<16xf32>
    %swap3A_59 = arith.constant 80 : index
    %swap3A_60 = tpu.vector_load %arg8[%swap3A_59] {strides = array<i32>} : memref<512xf32, #tpu.memory_space<vmem>>, vector<16xf32>,
    tpu.vector_store %arg8[%swap3A_59], %add3A_58 {strides = array<i32>} : memref<512xf32, #tpu.memory_space<vmem>>, vector<16xf32>,
    %parallel_loop3A_61 = arith.constant 0 : i32
    %parallel_loop3A_62 = arith.constant 200 : i32
    %parallel_loop3A_63 = arith.constant 1 : i32
    %parallel_loop3A_64:4 = scf.for %parallel_loop3A_201 = %parallel_loop3A_61 to %parallel_loop3A_62 step %parallel_loop3A_63 iter_args(%parallel_loop3A_202 = %broadcast_in_dim3A_32, %parallel_loop3A_203 = %broadcast_in_dim3A_32, %parallel_loop3A_204 = %broadcast_in_dim3A_32, %parallel_loop3A_205 = %broadcast_in_dim3A_32) -> (vector<16xf32>, vector<16xf32>, vector<16xf32>, vector<16xf32>)  : i32 {
      %parallel_loop3A_206 = arith.index_cast %parallel_loop3A_201 : i32 to index
      %parallel_loop3A_207 = arith.constant 96 : index
      %parallel_loop3A_208 = tpu.vector_load %arg6[%parallel_loop3A_206, %parallel_loop3A_207] {strides = array<i32>} : memref<200x512xi32, #tpu.memory_space<vmem>>, vector<16xi32>,
      %parallel_loop3A_209 = arith.index_cast %parallel_loop3A_201 : i32 to index
      %parallel_loop3A_210 = arith.constant 112 : index
      %parallel_loop3A_211 = tpu.vector_load %arg6[%parallel_loop3A_209, %parallel_loop3A_210] {strides = array<i32>} : memref<200x512xi32, #tpu.memory_space<vmem>>, vector<16xi32>,
      %parallel_loop3A_212 = vector.shape_cast %parallel_loop3A_208 : vector<16xi32> to vector<16x1xi32>
      %parallel_loop3A_213 = vector.shape_cast %parallel_loop3A_212 : vector<16x1xi32> to vector<16xi32>
      %parallel_loop3A_214 = tpu.dynamic_gather %get3A_3[%parallel_loop3A_213] in [0] : vector<16xf32>, vector<16xi32> -> vector<16xf32>
      %parallel_loop3A_215 = arith.addf %parallel_loop3A_202, %parallel_loop3A_214 : vector<16xf32>
      %parallel_loop3A_216 = vector.shape_cast %parallel_loop3A_211 : vector<16xi32> to vector<16x1xi32>
      %parallel_loop3A_217 = vector.shape_cast %parallel_loop3A_216 : vector<16x1xi32> to vector<16xi32>
      %parallel_loop3A_218 = tpu.dynamic_gather %get3A_3[%parallel_loop3A_217] in [0] : vector<16xf32>, vector<16xi32> -> vector<16xf32>
      %parallel_loop3A_219 = arith.addf %parallel_loop3A_204, %parallel_loop3A_218 : vector<16xf32>
      scf.yield %parallel_loop3A_203, %parallel_loop3A_215, %parallel_loop3A_205, %parallel_loop3A_219 : vector<16xf32>, vector<16xf32>, vector<16xf32>, vector<16xf32>
    } {sc.loop_unroll_factor = 8 : i64, sc.parallel_access}
    %add3A_65 = arith.addf %parallel_loop3A_64#0, %parallel_loop3A_64#1 : vector<16xf32>
    %swap3A_66 = arith.constant 96 : index
    %swap3A_67 = tpu.vector_load %arg8[%swap3A_66] {strides = array<i32>} : memref<512xf32, #tpu.memory_space<vmem>>, vector<16xf32>,
    tpu.vector_store %arg8[%swap3A_66], %add3A_65 {strides = array<i32>} : memref<512xf32, #tpu.memory_space<vmem>>, vector<16xf32>,
    %add3A_68 = arith.addf %parallel_loop3A_64#2, %parallel_loop3A_64#3 : vector<16xf32>
    %swap3A_69 = arith.constant 112 : index
    %swap3A_70 = tpu.vector_load %arg8[%swap3A_69] {strides = array<i32>} : memref<512xf32, #tpu.memory_space<vmem>>, vector<16xf32>,
    tpu.vector_store %arg8[%swap3A_69], %add3A_68 {strides = array<i32>} : memref<512xf32, #tpu.memory_space<vmem>>, vector<16xf32>,
    %parallel_loop3A_71 = arith.constant 0 : i32
    %parallel_loop3A_72 = arith.constant 200 : i32
    %parallel_loop3A_73 = arith.constant 1 : i32
    %parallel_loop3A_74:4 = scf.for %parallel_loop3A_201 = %parallel_loop3A_71 to %parallel_loop3A_72 step %parallel_loop3A_73 iter_args(%parallel_loop3A_202 = %broadcast_in_dim3A_32, %parallel_loop3A_203 = %broadcast_in_dim3A_32, %parallel_loop3A_204 = %broadcast_in_dim3A_32, %parallel_loop3A_205 = %broadcast_in_dim3A_32) -> (vector<16xf32>, vector<16xf32>, vector<16xf32>, vector<16xf32>)  : i32 {
      %parallel_loop3A_206 = arith.index_cast %parallel_loop3A_201 : i32 to index
      %parallel_loop3A_207 = arith.constant 128 : index
      %parallel_loop3A_208 = tpu.vector_load %arg6[%parallel_loop3A_206, %parallel_loop3A_207] {strides = array<i32>} : memref<200x512xi32, #tpu.memory_space<vmem>>, vector<16xi32>,
      %parallel_loop3A_209 = arith.index_cast %parallel_loop3A_201 : i32 to index
      %parallel_loop3A_210 = arith.constant 144 : index
      %parallel_loop3A_211 = tpu.vector_load %arg6[%parallel_loop3A_209, %parallel_loop3A_210] {strides = array<i32>} : memref<200x512xi32, #tpu.memory_space<vmem>>, vector<16xi32>,
      %parallel_loop3A_212 = vector.shape_cast %parallel_loop3A_208 : vector<16xi32> to vector<16x1xi32>
      %parallel_loop3A_213 = vector.shape_cast %parallel_loop3A_212 : vector<16x1xi32> to vector<16xi32>
      %parallel_loop3A_214 = tpu.dynamic_gather %get3A_3[%parallel_loop3A_213] in [0] : vector<16xf32>, vector<16xi32> -> vector<16xf32>
      %parallel_loop3A_215 = arith.addf %parallel_loop3A_202, %parallel_loop3A_214 : vector<16xf32>
      %parallel_loop3A_216 = vector.shape_cast %parallel_loop3A_211 : vector<16xi32> to vector<16x1xi32>
      %parallel_loop3A_217 = vector.shape_cast %parallel_loop3A_216 : vector<16x1xi32> to vector<16xi32>
      %parallel_loop3A_218 = tpu.dynamic_gather %get3A_3[%parallel_loop3A_217] in [0] : vector<16xf32>, vector<16xi32> -> vector<16xf32>
      %parallel_loop3A_219 = arith.addf %parallel_loop3A_204, %parallel_loop3A_218 : vector<16xf32>
      scf.yield %parallel_loop3A_203, %parallel_loop3A_215, %parallel_loop3A_205, %parallel_loop3A_219 : vector<16xf32>, vector<16xf32>, vector<16xf32>, vector<16xf32>
    } {sc.loop_unroll_factor = 8 : i64, sc.parallel_access}
    %add3A_75 = arith.addf %parallel_loop3A_74#0, %parallel_loop3A_74#1 : vector<16xf32>
    %swap3A_76 = arith.constant 128 : index
    %swap3A_77 = tpu.vector_load %arg8[%swap3A_76] {strides = array<i32>} : memref<512xf32, #tpu.memory_space<vmem>>, vector<16xf32>,
    tpu.vector_store %arg8[%swap3A_76], %add3A_75 {strides = array<i32>} : memref<512xf32, #tpu.memory_space<vmem>>, vector<16xf32>,
    %add3A_78 = arith.addf %parallel_loop3A_74#2, %parallel_loop3A_74#3 : vector<16xf32>
    %swap3A_79 = arith.constant 144 : index
    %swap3A_80 = tpu.vector_load %arg8[%swap3A_79] {strides = array<i32>} : memref<512xf32, #tpu.memory_space<vmem>>, vector<16xf32>,
    tpu.vector_store %arg8[%swap3A_79], %add3A_78 {strides = array<i32>} : memref<512xf32, #tpu.memory_space<vmem>>, vector<16xf32>,
    %parallel_loop3A_81 = arith.constant 0 : i32
    %parallel_loop3A_82 = arith.constant 200 : i32
    %parallel_loop3A_83 = arith.constant 1 : i32
    %parallel_loop3A_84:4 = scf.for %parallel_loop3A_201 = %parallel_loop3A_81 to %parallel_loop3A_82 step %parallel_loop3A_83 iter_args(%parallel_loop3A_202 = %broadcast_in_dim3A_32, %parallel_loop3A_203 = %broadcast_in_dim3A_32, %parallel_loop3A_204 = %broadcast_in_dim3A_32, %parallel_loop3A_205 = %broadcast_in_dim3A_32) -> (vector<16xf32>, vector<16xf32>, vector<16xf32>, vector<16xf32>)  : i32 {
      %parallel_loop3A_206 = arith.index_cast %parallel_loop3A_201 : i32 to index
      %parallel_loop3A_207 = arith.constant 160 : index
      %parallel_loop3A_208 = tpu.vector_load %arg6[%parallel_loop3A_206, %parallel_loop3A_207] {strides = array<i32>} : memref<200x512xi32, #tpu.memory_space<vmem>>, vector<16xi32>,
      %parallel_loop3A_209 = arith.index_cast %parallel_loop3A_201 : i32 to index
      %parallel_loop3A_210 = arith.constant 176 : index
      %parallel_loop3A_211 = tpu.vector_load %arg6[%parallel_loop3A_209, %parallel_loop3A_210] {strides = array<i32>} : memref<200x512xi32, #tpu.memory_space<vmem>>, vector<16xi32>,
      %parallel_loop3A_212 = vector.shape_cast %parallel_loop3A_208 : vector<16xi32> to vector<16x1xi32>
      %parallel_loop3A_213 = vector.shape_cast %parallel_loop3A_212 : vector<16x1xi32> to vector<16xi32>
      %parallel_loop3A_214 = tpu.dynamic_gather %get3A_3[%parallel_loop3A_213] in [0] : vector<16xf32>, vector<16xi32> -> vector<16xf32>
      %parallel_loop3A_215 = arith.addf %parallel_loop3A_202, %parallel_loop3A_214 : vector<16xf32>
      %parallel_loop3A_216 = vector.shape_cast %parallel_loop3A_211 : vector<16xi32> to vector<16x1xi32>
      %parallel_loop3A_217 = vector.shape_cast %parallel_loop3A_216 : vector<16x1xi32> to vector<16xi32>
      %parallel_loop3A_218 = tpu.dynamic_gather %get3A_3[%parallel_loop3A_217] in [0] : vector<16xf32>, vector<16xi32> -> vector<16xf32>
      %parallel_loop3A_219 = arith.addf %parallel_loop3A_204, %parallel_loop3A_218 : vector<16xf32>
      scf.yield %parallel_loop3A_203, %parallel_loop3A_215, %parallel_loop3A_205, %parallel_loop3A_219 : vector<16xf32>, vector<16xf32>, vector<16xf32>, vector<16xf32>
    } {sc.loop_unroll_factor = 8 : i64, sc.parallel_access}
    %add3A_85 = arith.addf %parallel_loop3A_84#0, %parallel_loop3A_84#1 : vector<16xf32>
    %swap3A_86 = arith.constant 160 : index
    %swap3A_87 = tpu.vector_load %arg8[%swap3A_86] {strides = array<i32>} : memref<512xf32, #tpu.memory_space<vmem>>, vector<16xf32>,
    tpu.vector_store %arg8[%swap3A_86], %add3A_85 {strides = array<i32>} : memref<512xf32, #tpu.memory_space<vmem>>, vector<16xf32>,
    %add3A_88 = arith.addf %parallel_loop3A_84#2, %parallel_loop3A_84#3 : vector<16xf32>
    %swap3A_89 = arith.constant 176 : index
    %swap3A_90 = tpu.vector_load %arg8[%swap3A_89] {strides = array<i32>} : memref<512xf32, #tpu.memory_space<vmem>>, vector<16xf32>,
    tpu.vector_store %arg8[%swap3A_89], %add3A_88 {strides = array<i32>} : memref<512xf32, #tpu.memory_space<vmem>>, vector<16xf32>,
    %parallel_loop3A_91 = arith.constant 0 : i32
    %parallel_loop3A_92 = arith.constant 200 : i32
    %parallel_loop3A_93 = arith.constant 1 : i32
    %parallel_loop3A_94:4 = scf.for %parallel_loop3A_201 = %parallel_loop3A_91 to %parallel_loop3A_92 step %parallel_loop3A_93 iter_args(%parallel_loop3A_202 = %broadcast_in_dim3A_32, %parallel_loop3A_203 = %broadcast_in_dim3A_32, %parallel_loop3A_204 = %broadcast_in_dim3A_32, %parallel_loop3A_205 = %broadcast_in_dim3A_32) -> (vector<16xf32>, vector<16xf32>, vector<16xf32>, vector<16xf32>)  : i32 {
      %parallel_loop3A_206 = arith.index_cast %parallel_loop3A_201 : i32 to index
      %parallel_loop3A_207 = arith.constant 192 : index
      %parallel_loop3A_208 = tpu.vector_load %arg6[%parallel_loop3A_206, %parallel_loop3A_207] {strides = array<i32>} : memref<200x512xi32, #tpu.memory_space<vmem>>, vector<16xi32>,
      %parallel_loop3A_209 = arith.index_cast %parallel_loop3A_201 : i32 to index
      %parallel_loop3A_210 = arith.constant 208 : index
      %parallel_loop3A_211 = tpu.vector_load %arg6[%parallel_loop3A_209, %parallel_loop3A_210] {strides = array<i32>} : memref<200x512xi32, #tpu.memory_space<vmem>>, vector<16xi32>,
      %parallel_loop3A_212 = vector.shape_cast %parallel_loop3A_208 : vector<16xi32> to vector<16x1xi32>
      %parallel_loop3A_213 = vector.shape_cast %parallel_loop3A_212 : vector<16x1xi32> to vector<16xi32>
      %parallel_loop3A_214 = tpu.dynamic_gather %get3A_3[%parallel_loop3A_213] in [0] : vector<16xf32>, vector<16xi32> -> vector<16xf32>
      %parallel_loop3A_215 = arith.addf %parallel_loop3A_202, %parallel_loop3A_214 : vector<16xf32>
      %parallel_loop3A_216 = vector.shape_cast %parallel_loop3A_211 : vector<16xi32> to vector<16x1xi32>
      %parallel_loop3A_217 = vector.shape_cast %parallel_loop3A_216 : vector<16x1xi32> to vector<16xi32>
      %parallel_loop3A_218 = tpu.dynamic_gather %get3A_3[%parallel_loop3A_217] in [0] : vector<16xf32>, vector<16xi32> -> vector<16xf32>
      %parallel_loop3A_219 = arith.addf %parallel_loop3A_204, %parallel_loop3A_218 : vector<16xf32>
      scf.yield %parallel_loop3A_203, %parallel_loop3A_215, %parallel_loop3A_205, %parallel_loop3A_219 : vector<16xf32>, vector<16xf32>, vector<16xf32>, vector<16xf32>
    } {sc.loop_unroll_factor = 8 : i64, sc.parallel_access}
    %add3A_95 = arith.addf %parallel_loop3A_94#0, %parallel_loop3A_94#1 : vector<16xf32>
    %swap3A_96 = arith.constant 192 : index
    %swap3A_97 = tpu.vector_load %arg8[%swap3A_96] {strides = array<i32>} : memref<512xf32, #tpu.memory_space<vmem>>, vector<16xf32>,
    tpu.vector_store %arg8[%swap3A_96], %add3A_95 {strides = array<i32>} : memref<512xf32, #tpu.memory_space<vmem>>, vector<16xf32>,
    %add3A_98 = arith.addf %parallel_loop3A_94#2, %parallel_loop3A_94#3 : vector<16xf32>
    %swap3A_99 = arith.constant 208 : index
    %swap3A_100 = tpu.vector_load %arg8[%swap3A_99] {strides = array<i32>} : memref<512xf32, #tpu.memory_space<vmem>>, vector<16xf32>,
    tpu.vector_store %arg8[%swap3A_99], %add3A_98 {strides = array<i32>} : memref<512xf32, #tpu.memory_space<vmem>>, vector<16xf32>,
    %parallel_loop3A_101 = arith.constant 0 : i32
    %parallel_loop3A_102 = arith.constant 200 : i32
    %parallel_loop3A_103 = arith.constant 1 : i32
    %parallel_loop3A_104:4 = scf.for %parallel_loop3A_201 = %parallel_loop3A_101 to %parallel_loop3A_102 step %parallel_loop3A_103 iter_args(%parallel_loop3A_202 = %broadcast_in_dim3A_32, %parallel_loop3A_203 = %broadcast_in_dim3A_32, %parallel_loop3A_204 = %broadcast_in_dim3A_32, %parallel_loop3A_205 = %broadcast_in_dim3A_32) -> (vector<16xf32>, vector<16xf32>, vector<16xf32>, vector<16xf32>)  : i32 {
      %parallel_loop3A_206 = arith.index_cast %parallel_loop3A_201 : i32 to index
      %parallel_loop3A_207 = arith.constant 224 : index
      %parallel_loop3A_208 = tpu.vector_load %arg6[%parallel_loop3A_206, %parallel_loop3A_207] {strides = array<i32>} : memref<200x512xi32, #tpu.memory_space<vmem>>, vector<16xi32>,
      %parallel_loop3A_209 = arith.index_cast %parallel_loop3A_201 : i32 to index
      %parallel_loop3A_210 = arith.constant 240 : index
      %parallel_loop3A_211 = tpu.vector_load %arg6[%parallel_loop3A_209, %parallel_loop3A_210] {strides = array<i32>} : memref<200x512xi32, #tpu.memory_space<vmem>>, vector<16xi32>,
      %parallel_loop3A_212 = vector.shape_cast %parallel_loop3A_208 : vector<16xi32> to vector<16x1xi32>
      %parallel_loop3A_213 = vector.shape_cast %parallel_loop3A_212 : vector<16x1xi32> to vector<16xi32>
      %parallel_loop3A_214 = tpu.dynamic_gather %get3A_3[%parallel_loop3A_213] in [0] : vector<16xf32>, vector<16xi32> -> vector<16xf32>
      %parallel_loop3A_215 = arith.addf %parallel_loop3A_202, %parallel_loop3A_214 : vector<16xf32>
      %parallel_loop3A_216 = vector.shape_cast %parallel_loop3A_211 : vector<16xi32> to vector<16x1xi32>
      %parallel_loop3A_217 = vector.shape_cast %parallel_loop3A_216 : vector<16x1xi32> to vector<16xi32>
      %parallel_loop3A_218 = tpu.dynamic_gather %get3A_3[%parallel_loop3A_217] in [0] : vector<16xf32>, vector<16xi32> -> vector<16xf32>
      %parallel_loop3A_219 = arith.addf %parallel_loop3A_204, %parallel_loop3A_218 : vector<16xf32>
      scf.yield %parallel_loop3A_203, %parallel_loop3A_215, %parallel_loop3A_205, %parallel_loop3A_219 : vector<16xf32>, vector<16xf32>, vector<16xf32>, vector<16xf32>
    } {sc.loop_unroll_factor = 8 : i64, sc.parallel_access}
    %add3A_105 = arith.addf %parallel_loop3A_104#0, %parallel_loop3A_104#1 : vector<16xf32>
    %swap3A_106 = arith.constant 224 : index
    %swap3A_107 = tpu.vector_load %arg8[%swap3A_106] {strides = array<i32>} : memref<512xf32, #tpu.memory_space<vmem>>, vector<16xf32>,
    tpu.vector_store %arg8[%swap3A_106], %add3A_105 {strides = array<i32>} : memref<512xf32, #tpu.memory_space<vmem>>, vector<16xf32>,
    %add3A_108 = arith.addf %parallel_loop3A_104#2, %parallel_loop3A_104#3 : vector<16xf32>
    %swap3A_109 = arith.constant 240 : index
    %swap3A_110 = tpu.vector_load %arg8[%swap3A_109] {strides = array<i32>} : memref<512xf32, #tpu.memory_space<vmem>>, vector<16xf32>,
    tpu.vector_store %arg8[%swap3A_109], %add3A_108 {strides = array<i32>} : memref<512xf32, #tpu.memory_space<vmem>>, vector<16xf32>,
    %parallel_loop3A_111 = arith.constant 0 : i32
    %parallel_loop3A_112 = arith.constant 200 : i32
    %parallel_loop3A_113 = arith.constant 1 : i32
    %parallel_loop3A_114:4 = scf.for %parallel_loop3A_201 = %parallel_loop3A_111 to %parallel_loop3A_112 step %parallel_loop3A_113 iter_args(%parallel_loop3A_202 = %broadcast_in_dim3A_32, %parallel_loop3A_203 = %broadcast_in_dim3A_32, %parallel_loop3A_204 = %broadcast_in_dim3A_32, %parallel_loop3A_205 = %broadcast_in_dim3A_32) -> (vector<16xf32>, vector<16xf32>, vector<16xf32>, vector<16xf32>)  : i32 {
      %parallel_loop3A_206 = arith.index_cast %parallel_loop3A_201 : i32 to index
      %parallel_loop3A_207 = arith.constant 256 : index
      %parallel_loop3A_208 = tpu.vector_load %arg6[%parallel_loop3A_206, %parallel_loop3A_207] {strides = array<i32>} : memref<200x512xi32, #tpu.memory_space<vmem>>, vector<16xi32>,
      %parallel_loop3A_209 = arith.index_cast %parallel_loop3A_201 : i32 to index
      %parallel_loop3A_210 = arith.constant 272 : index
      %parallel_loop3A_211 = tpu.vector_load %arg6[%parallel_loop3A_209, %parallel_loop3A_210] {strides = array<i32>} : memref<200x512xi32, #tpu.memory_space<vmem>>, vector<16xi32>,
      %parallel_loop3A_212 = vector.shape_cast %parallel_loop3A_208 : vector<16xi32> to vector<16x1xi32>
      %parallel_loop3A_213 = vector.shape_cast %parallel_loop3A_212 : vector<16x1xi32> to vector<16xi32>
      %parallel_loop3A_214 = tpu.dynamic_gather %get3A_3[%parallel_loop3A_213] in [0] : vector<16xf32>, vector<16xi32> -> vector<16xf32>
      %parallel_loop3A_215 = arith.addf %parallel_loop3A_202, %parallel_loop3A_214 : vector<16xf32>
      %parallel_loop3A_216 = vector.shape_cast %parallel_loop3A_211 : vector<16xi32> to vector<16x1xi32>
      %parallel_loop3A_217 = vector.shape_cast %parallel_loop3A_216 : vector<16x1xi32> to vector<16xi32>
      %parallel_loop3A_218 = tpu.dynamic_gather %get3A_3[%parallel_loop3A_217] in [0] : vector<16xf32>, vector<16xi32> -> vector<16xf32>
      %parallel_loop3A_219 = arith.addf %parallel_loop3A_204, %parallel_loop3A_218 : vector<16xf32>
      scf.yield %parallel_loop3A_203, %parallel_loop3A_215, %parallel_loop3A_205, %parallel_loop3A_219 : vector<16xf32>, vector<16xf32>, vector<16xf32>, vector<16xf32>
    } {sc.loop_unroll_factor = 8 : i64, sc.parallel_access}
    %add3A_115 = arith.addf %parallel_loop3A_114#0, %parallel_loop3A_114#1 : vector<16xf32>
    %swap3A_116 = arith.constant 256 : index
    %swap3A_117 = tpu.vector_load %arg8[%swap3A_116] {strides = array<i32>} : memref<512xf32, #tpu.memory_space<vmem>>, vector<16xf32>,
    tpu.vector_store %arg8[%swap3A_116], %add3A_115 {strides = array<i32>} : memref<512xf32, #tpu.memory_space<vmem>>, vector<16xf32>,
    %add3A_118 = arith.addf %parallel_loop3A_114#2, %parallel_loop3A_114#3 : vector<16xf32>
    %swap3A_119 = arith.constant 272 : index
    %swap3A_120 = tpu.vector_load %arg8[%swap3A_119] {strides = array<i32>} : memref<512xf32, #tpu.memory_space<vmem>>, vector<16xf32>,
    tpu.vector_store %arg8[%swap3A_119], %add3A_118 {strides = array<i32>} : memref<512xf32, #tpu.memory_space<vmem>>, vector<16xf32>,
    %parallel_loop3A_121 = arith.constant 0 : i32
    %parallel_loop3A_122 = arith.constant 200 : i32
    %parallel_loop3A_123 = arith.constant 1 : i32
    %parallel_loop3A_124:4 = scf.for %parallel_loop3A_201 = %parallel_loop3A_121 to %parallel_loop3A_122 step %parallel_loop3A_123 iter_args(%parallel_loop3A_202 = %broadcast_in_dim3A_32, %parallel_loop3A_203 = %broadcast_in_dim3A_32, %parallel_loop3A_204 = %broadcast_in_dim3A_32, %parallel_loop3A_205 = %broadcast_in_dim3A_32) -> (vector<16xf32>, vector<16xf32>, vector<16xf32>, vector<16xf32>)  : i32 {
      %parallel_loop3A_206 = arith.index_cast %parallel_loop3A_201 : i32 to index
      %parallel_loop3A_207 = arith.constant 288 : index
      %parallel_loop3A_208 = tpu.vector_load %arg6[%parallel_loop3A_206, %parallel_loop3A_207] {strides = array<i32>} : memref<200x512xi32, #tpu.memory_space<vmem>>, vector<16xi32>,
      %parallel_loop3A_209 = arith.index_cast %parallel_loop3A_201 : i32 to index
      %parallel_loop3A_210 = arith.constant 304 : index
      %parallel_loop3A_211 = tpu.vector_load %arg6[%parallel_loop3A_209, %parallel_loop3A_210] {strides = array<i32>} : memref<200x512xi32, #tpu.memory_space<vmem>>, vector<16xi32>,
      %parallel_loop3A_212 = vector.shape_cast %parallel_loop3A_208 : vector<16xi32> to vector<16x1xi32>
      %parallel_loop3A_213 = vector.shape_cast %parallel_loop3A_212 : vector<16x1xi32> to vector<16xi32>
      %parallel_loop3A_214 = tpu.dynamic_gather %get3A_3[%parallel_loop3A_213] in [0] : vector<16xf32>, vector<16xi32> -> vector<16xf32>
      %parallel_loop3A_215 = arith.addf %parallel_loop3A_202, %parallel_loop3A_214 : vector<16xf32>
      %parallel_loop3A_216 = vector.shape_cast %parallel_loop3A_211 : vector<16xi32> to vector<16x1xi32>
      %parallel_loop3A_217 = vector.shape_cast %parallel_loop3A_216 : vector<16x1xi32> to vector<16xi32>
      %parallel_loop3A_218 = tpu.dynamic_gather %get3A_3[%parallel_loop3A_217] in [0] : vector<16xf32>, vector<16xi32> -> vector<16xf32>
      %parallel_loop3A_219 = arith.addf %parallel_loop3A_204, %parallel_loop3A_218 : vector<16xf32>
      scf.yield %parallel_loop3A_203, %parallel_loop3A_215, %parallel_loop3A_205, %parallel_loop3A_219 : vector<16xf32>, vector<16xf32>, vector<16xf32>, vector<16xf32>
    } {sc.loop_unroll_factor = 8 : i64, sc.parallel_access}
    %add3A_125 = arith.addf %parallel_loop3A_124#0, %parallel_loop3A_124#1 : vector<16xf32>
    %swap3A_126 = arith.constant 288 : index
    %swap3A_127 = tpu.vector_load %arg8[%swap3A_126] {strides = array<i32>} : memref<512xf32, #tpu.memory_space<vmem>>, vector<16xf32>,
    tpu.vector_store %arg8[%swap3A_126], %add3A_125 {strides = array<i32>} : memref<512xf32, #tpu.memory_space<vmem>>, vector<16xf32>,
    %add3A_128 = arith.addf %parallel_loop3A_124#2, %parallel_loop3A_124#3 : vector<16xf32>
    %swap3A_129 = arith.constant 304 : index
    %swap3A_130 = tpu.vector_load %arg8[%swap3A_129] {strides = array<i32>} : memref<512xf32, #tpu.memory_space<vmem>>, vector<16xf32>,
    tpu.vector_store %arg8[%swap3A_129], %add3A_128 {strides = array<i32>} : memref<512xf32, #tpu.memory_space<vmem>>, vector<16xf32>,
    %parallel_loop3A_131 = arith.constant 0 : i32
    %parallel_loop3A_132 = arith.constant 200 : i32
    %parallel_loop3A_133 = arith.constant 1 : i32
    %parallel_loop3A_134:4 = scf.for %parallel_loop3A_201 = %parallel_loop3A_131 to %parallel_loop3A_132 step %parallel_loop3A_133 iter_args(%parallel_loop3A_202 = %broadcast_in_dim3A_32, %parallel_loop3A_203 = %broadcast_in_dim3A_32, %parallel_loop3A_204 = %broadcast_in_dim3A_32, %parallel_loop3A_205 = %broadcast_in_dim3A_32) -> (vector<16xf32>, vector<16xf32>, vector<16xf32>, vector<16xf32>)  : i32 {
      %parallel_loop3A_206 = arith.index_cast %parallel_loop3A_201 : i32 to index
      %parallel_loop3A_207 = arith.constant 320 : index
      %parallel_loop3A_208 = tpu.vector_load %arg6[%parallel_loop3A_206, %parallel_loop3A_207] {strides = array<i32>} : memref<200x512xi32, #tpu.memory_space<vmem>>, vector<16xi32>,
      %parallel_loop3A_209 = arith.index_cast %parallel_loop3A_201 : i32 to index
      %parallel_loop3A_210 = arith.constant 336 : index
      %parallel_loop3A_211 = tpu.vector_load %arg6[%parallel_loop3A_209, %parallel_loop3A_210] {strides = array<i32>} : memref<200x512xi32, #tpu.memory_space<vmem>>, vector<16xi32>,
      %parallel_loop3A_212 = vector.shape_cast %parallel_loop3A_208 : vector<16xi32> to vector<16x1xi32>
      %parallel_loop3A_213 = vector.shape_cast %parallel_loop3A_212 : vector<16x1xi32> to vector<16xi32>
      %parallel_loop3A_214 = tpu.dynamic_gather %get3A_3[%parallel_loop3A_213] in [0] : vector<16xf32>, vector<16xi32> -> vector<16xf32>
      %parallel_loop3A_215 = arith.addf %parallel_loop3A_202, %parallel_loop3A_214 : vector<16xf32>
      %parallel_loop3A_216 = vector.shape_cast %parallel_loop3A_211 : vector<16xi32> to vector<16x1xi32>
      %parallel_loop3A_217 = vector.shape_cast %parallel_loop3A_216 : vector<16x1xi32> to vector<16xi32>
      %parallel_loop3A_218 = tpu.dynamic_gather %get3A_3[%parallel_loop3A_217] in [0] : vector<16xf32>, vector<16xi32> -> vector<16xf32>
      %parallel_loop3A_219 = arith.addf %parallel_loop3A_204, %parallel_loop3A_218 : vector<16xf32>
      scf.yield %parallel_loop3A_203, %parallel_loop3A_215, %parallel_loop3A_205, %parallel_loop3A_219 : vector<16xf32>, vector<16xf32>, vector<16xf32>, vector<16xf32>
    } {sc.loop_unroll_factor = 8 : i64, sc.parallel_access}
    %add3A_135 = arith.addf %parallel_loop3A_134#0, %parallel_loop3A_134#1 : vector<16xf32>
    %swap3A_136 = arith.constant 320 : index
    %swap3A_137 = tpu.vector_load %arg8[%swap3A_136] {strides = array<i32>} : memref<512xf32, #tpu.memory_space<vmem>>, vector<16xf32>,
    tpu.vector_store %arg8[%swap3A_136], %add3A_135 {strides = array<i32>} : memref<512xf32, #tpu.memory_space<vmem>>, vector<16xf32>,
    %add3A_138 = arith.addf %parallel_loop3A_134#2, %parallel_loop3A_134#3 : vector<16xf32>
    %swap3A_139 = arith.constant 336 : index
    %swap3A_140 = tpu.vector_load %arg8[%swap3A_139] {strides = array<i32>} : memref<512xf32, #tpu.memory_space<vmem>>, vector<16xf32>,
    tpu.vector_store %arg8[%swap3A_139], %add3A_138 {strides = array<i32>} : memref<512xf32, #tpu.memory_space<vmem>>, vector<16xf32>,
    %parallel_loop3A_141 = arith.constant 0 : i32
    %parallel_loop3A_142 = arith.constant 200 : i32
    %parallel_loop3A_143 = arith.constant 1 : i32
    %parallel_loop3A_144:4 = scf.for %parallel_loop3A_201 = %parallel_loop3A_141 to %parallel_loop3A_142 step %parallel_loop3A_143 iter_args(%parallel_loop3A_202 = %broadcast_in_dim3A_32, %parallel_loop3A_203 = %broadcast_in_dim3A_32, %parallel_loop3A_204 = %broadcast_in_dim3A_32, %parallel_loop3A_205 = %broadcast_in_dim3A_32) -> (vector<16xf32>, vector<16xf32>, vector<16xf32>, vector<16xf32>)  : i32 {
      %parallel_loop3A_206 = arith.index_cast %parallel_loop3A_201 : i32 to index
      %parallel_loop3A_207 = arith.constant 352 : index
      %parallel_loop3A_208 = tpu.vector_load %arg6[%parallel_loop3A_206, %parallel_loop3A_207] {strides = array<i32>} : memref<200x512xi32, #tpu.memory_space<vmem>>, vector<16xi32>,
      %parallel_loop3A_209 = arith.index_cast %parallel_loop3A_201 : i32 to index
      %parallel_loop3A_210 = arith.constant 368 : index
      %parallel_loop3A_211 = tpu.vector_load %arg6[%parallel_loop3A_209, %parallel_loop3A_210] {strides = array<i32>} : memref<200x512xi32, #tpu.memory_space<vmem>>, vector<16xi32>,
      %parallel_loop3A_212 = vector.shape_cast %parallel_loop3A_208 : vector<16xi32> to vector<16x1xi32>
      %parallel_loop3A_213 = vector.shape_cast %parallel_loop3A_212 : vector<16x1xi32> to vector<16xi32>
      %parallel_loop3A_214 = tpu.dynamic_gather %get3A_3[%parallel_loop3A_213] in [0] : vector<16xf32>, vector<16xi32> -> vector<16xf32>
      %parallel_loop3A_215 = arith.addf %parallel_loop3A_202, %parallel_loop3A_214 : vector<16xf32>
      %parallel_loop3A_216 = vector.shape_cast %parallel_loop3A_211 : vector<16xi32> to vector<16x1xi32>
      %parallel_loop3A_217 = vector.shape_cast %parallel_loop3A_216 : vector<16x1xi32> to vector<16xi32>
      %parallel_loop3A_218 = tpu.dynamic_gather %get3A_3[%parallel_loop3A_217] in [0] : vector<16xf32>, vector<16xi32> -> vector<16xf32>
      %parallel_loop3A_219 = arith.addf %parallel_loop3A_204, %parallel_loop3A_218 : vector<16xf32>
      scf.yield %parallel_loop3A_203, %parallel_loop3A_215, %parallel_loop3A_205, %parallel_loop3A_219 : vector<16xf32>, vector<16xf32>, vector<16xf32>, vector<16xf32>
    } {sc.loop_unroll_factor = 8 : i64, sc.parallel_access}
    %add3A_145 = arith.addf %parallel_loop3A_144#0, %parallel_loop3A_144#1 : vector<16xf32>
    %swap3A_146 = arith.constant 352 : index
    %swap3A_147 = tpu.vector_load %arg8[%swap3A_146] {strides = array<i32>} : memref<512xf32, #tpu.memory_space<vmem>>, vector<16xf32>,
    tpu.vector_store %arg8[%swap3A_146], %add3A_145 {strides = array<i32>} : memref<512xf32, #tpu.memory_space<vmem>>, vector<16xf32>,
    %add3A_148 = arith.addf %parallel_loop3A_144#2, %parallel_loop3A_144#3 : vector<16xf32>
    %swap3A_149 = arith.constant 368 : index
    %swap3A_150 = tpu.vector_load %arg8[%swap3A_149] {strides = array<i32>} : memref<512xf32, #tpu.memory_space<vmem>>, vector<16xf32>,
    tpu.vector_store %arg8[%swap3A_149], %add3A_148 {strides = array<i32>} : memref<512xf32, #tpu.memory_space<vmem>>, vector<16xf32>,
    %parallel_loop3A_151 = arith.constant 0 : i32
    %parallel_loop3A_152 = arith.constant 200 : i32
    %parallel_loop3A_153 = arith.constant 1 : i32
    %parallel_loop3A_154:4 = scf.for %parallel_loop3A_201 = %parallel_loop3A_151 to %parallel_loop3A_152 step %parallel_loop3A_153 iter_args(%parallel_loop3A_202 = %broadcast_in_dim3A_32, %parallel_loop3A_203 = %broadcast_in_dim3A_32, %parallel_loop3A_204 = %broadcast_in_dim3A_32, %parallel_loop3A_205 = %broadcast_in_dim3A_32) -> (vector<16xf32>, vector<16xf32>, vector<16xf32>, vector<16xf32>)  : i32 {
      %parallel_loop3A_206 = arith.index_cast %parallel_loop3A_201 : i32 to index
      %parallel_loop3A_207 = arith.constant 384 : index
      %parallel_loop3A_208 = tpu.vector_load %arg6[%parallel_loop3A_206, %parallel_loop3A_207] {strides = array<i32>} : memref<200x512xi32, #tpu.memory_space<vmem>>, vector<16xi32>,
      %parallel_loop3A_209 = arith.index_cast %parallel_loop3A_201 : i32 to index
      %parallel_loop3A_210 = arith.constant 400 : index
      %parallel_loop3A_211 = tpu.vector_load %arg6[%parallel_loop3A_209, %parallel_loop3A_210] {strides = array<i32>} : memref<200x512xi32, #tpu.memory_space<vmem>>, vector<16xi32>,
      %parallel_loop3A_212 = vector.shape_cast %parallel_loop3A_208 : vector<16xi32> to vector<16x1xi32>
      %parallel_loop3A_213 = vector.shape_cast %parallel_loop3A_212 : vector<16x1xi32> to vector<16xi32>
      %parallel_loop3A_214 = tpu.dynamic_gather %get3A_3[%parallel_loop3A_213] in [0] : vector<16xf32>, vector<16xi32> -> vector<16xf32>
      %parallel_loop3A_215 = arith.addf %parallel_loop3A_202, %parallel_loop3A_214 : vector<16xf32>
      %parallel_loop3A_216 = vector.shape_cast %parallel_loop3A_211 : vector<16xi32> to vector<16x1xi32>
      %parallel_loop3A_217 = vector.shape_cast %parallel_loop3A_216 : vector<16x1xi32> to vector<16xi32>
      %parallel_loop3A_218 = tpu.dynamic_gather %get3A_3[%parallel_loop3A_217] in [0] : vector<16xf32>, vector<16xi32> -> vector<16xf32>
      %parallel_loop3A_219 = arith.addf %parallel_loop3A_204, %parallel_loop3A_218 : vector<16xf32>
      scf.yield %parallel_loop3A_203, %parallel_loop3A_215, %parallel_loop3A_205, %parallel_loop3A_219 : vector<16xf32>, vector<16xf32>, vector<16xf32>, vector<16xf32>
    } {sc.loop_unroll_factor = 8 : i64, sc.parallel_access}
    %add3A_155 = arith.addf %parallel_loop3A_154#0, %parallel_loop3A_154#1 : vector<16xf32>
    %swap3A_156 = arith.constant 384 : index
    %swap3A_157 = tpu.vector_load %arg8[%swap3A_156] {strides = array<i32>} : memref<512xf32, #tpu.memory_space<vmem>>, vector<16xf32>,
    tpu.vector_store %arg8[%swap3A_156], %add3A_155 {strides = array<i32>} : memref<512xf32, #tpu.memory_space<vmem>>, vector<16xf32>,
    %add3A_158 = arith.addf %parallel_loop3A_154#2, %parallel_loop3A_154#3 : vector<16xf32>
    %swap3A_159 = arith.constant 400 : index
    %swap3A_160 = tpu.vector_load %arg8[%swap3A_159] {strides = array<i32>} : memref<512xf32, #tpu.memory_space<vmem>>, vector<16xf32>,
    tpu.vector_store %arg8[%swap3A_159], %add3A_158 {strides = array<i32>} : memref<512xf32, #tpu.memory_space<vmem>>, vector<16xf32>,
    %parallel_loop3A_161 = arith.constant 0 : i32
    %parallel_loop3A_162 = arith.constant 200 : i32
    %parallel_loop3A_163 = arith.constant 1 : i32
    %parallel_loop3A_164:4 = scf.for %parallel_loop3A_201 = %parallel_loop3A_161 to %parallel_loop3A_162 step %parallel_loop3A_163 iter_args(%parallel_loop3A_202 = %broadcast_in_dim3A_32, %parallel_loop3A_203 = %broadcast_in_dim3A_32, %parallel_loop3A_204 = %broadcast_in_dim3A_32, %parallel_loop3A_205 = %broadcast_in_dim3A_32) -> (vector<16xf32>, vector<16xf32>, vector<16xf32>, vector<16xf32>)  : i32 {
      %parallel_loop3A_206 = arith.index_cast %parallel_loop3A_201 : i32 to index
      %parallel_loop3A_207 = arith.constant 416 : index
      %parallel_loop3A_208 = tpu.vector_load %arg6[%parallel_loop3A_206, %parallel_loop3A_207] {strides = array<i32>} : memref<200x512xi32, #tpu.memory_space<vmem>>, vector<16xi32>,
      %parallel_loop3A_209 = arith.index_cast %parallel_loop3A_201 : i32 to index
      %parallel_loop3A_210 = arith.constant 432 : index
      %parallel_loop3A_211 = tpu.vector_load %arg6[%parallel_loop3A_209, %parallel_loop3A_210] {strides = array<i32>} : memref<200x512xi32, #tpu.memory_space<vmem>>, vector<16xi32>,
      %parallel_loop3A_212 = vector.shape_cast %parallel_loop3A_208 : vector<16xi32> to vector<16x1xi32>
      %parallel_loop3A_213 = vector.shape_cast %parallel_loop3A_212 : vector<16x1xi32> to vector<16xi32>
      %parallel_loop3A_214 = tpu.dynamic_gather %get3A_3[%parallel_loop3A_213] in [0] : vector<16xf32>, vector<16xi32> -> vector<16xf32>
      %parallel_loop3A_215 = arith.addf %parallel_loop3A_202, %parallel_loop3A_214 : vector<16xf32>
      %parallel_loop3A_216 = vector.shape_cast %parallel_loop3A_211 : vector<16xi32> to vector<16x1xi32>
      %parallel_loop3A_217 = vector.shape_cast %parallel_loop3A_216 : vector<16x1xi32> to vector<16xi32>
      %parallel_loop3A_218 = tpu.dynamic_gather %get3A_3[%parallel_loop3A_217] in [0] : vector<16xf32>, vector<16xi32> -> vector<16xf32>
      %parallel_loop3A_219 = arith.addf %parallel_loop3A_204, %parallel_loop3A_218 : vector<16xf32>
      scf.yield %parallel_loop3A_203, %parallel_loop3A_215, %parallel_loop3A_205, %parallel_loop3A_219 : vector<16xf32>, vector<16xf32>, vector<16xf32>, vector<16xf32>
    } {sc.loop_unroll_factor = 8 : i64, sc.parallel_access}
    %add3A_165 = arith.addf %parallel_loop3A_164#0, %parallel_loop3A_164#1 : vector<16xf32>
    %swap3A_166 = arith.constant 416 : index
    %swap3A_167 = tpu.vector_load %arg8[%swap3A_166] {strides = array<i32>} : memref<512xf32, #tpu.memory_space<vmem>>, vector<16xf32>,
    tpu.vector_store %arg8[%swap3A_166], %add3A_165 {strides = array<i32>} : memref<512xf32, #tpu.memory_space<vmem>>, vector<16xf32>,
    %add3A_168 = arith.addf %parallel_loop3A_164#2, %parallel_loop3A_164#3 : vector<16xf32>
    %swap3A_169 = arith.constant 432 : index
    %swap3A_170 = tpu.vector_load %arg8[%swap3A_169] {strides = array<i32>} : memref<512xf32, #tpu.memory_space<vmem>>, vector<16xf32>,
    tpu.vector_store %arg8[%swap3A_169], %add3A_168 {strides = array<i32>} : memref<512xf32, #tpu.memory_space<vmem>>, vector<16xf32>,
    %parallel_loop3A_171 = arith.constant 0 : i32
    %parallel_loop3A_172 = arith.constant 200 : i32
    %parallel_loop3A_173 = arith.constant 1 : i32
    %parallel_loop3A_174:4 = scf.for %parallel_loop3A_201 = %parallel_loop3A_171 to %parallel_loop3A_172 step %parallel_loop3A_173 iter_args(%parallel_loop3A_202 = %broadcast_in_dim3A_32, %parallel_loop3A_203 = %broadcast_in_dim3A_32, %parallel_loop3A_204 = %broadcast_in_dim3A_32, %parallel_loop3A_205 = %broadcast_in_dim3A_32) -> (vector<16xf32>, vector<16xf32>, vector<16xf32>, vector<16xf32>)  : i32 {
      %parallel_loop3A_206 = arith.index_cast %parallel_loop3A_201 : i32 to index
      %parallel_loop3A_207 = arith.constant 448 : index
      %parallel_loop3A_208 = tpu.vector_load %arg6[%parallel_loop3A_206, %parallel_loop3A_207] {strides = array<i32>} : memref<200x512xi32, #tpu.memory_space<vmem>>, vector<16xi32>,
      %parallel_loop3A_209 = arith.index_cast %parallel_loop3A_201 : i32 to index
      %parallel_loop3A_210 = arith.constant 464 : index
      %parallel_loop3A_211 = tpu.vector_load %arg6[%parallel_loop3A_209, %parallel_loop3A_210] {strides = array<i32>} : memref<200x512xi32, #tpu.memory_space<vmem>>, vector<16xi32>,
      %parallel_loop3A_212 = vector.shape_cast %parallel_loop3A_208 : vector<16xi32> to vector<16x1xi32>
      %parallel_loop3A_213 = vector.shape_cast %parallel_loop3A_212 : vector<16x1xi32> to vector<16xi32>
      %parallel_loop3A_214 = tpu.dynamic_gather %get3A_3[%parallel_loop3A_213] in [0] : vector<16xf32>, vector<16xi32> -> vector<16xf32>
      %parallel_loop3A_215 = arith.addf %parallel_loop3A_202, %parallel_loop3A_214 : vector<16xf32>
      %parallel_loop3A_216 = vector.shape_cast %parallel_loop3A_211 : vector<16xi32> to vector<16x1xi32>
      %parallel_loop3A_217 = vector.shape_cast %parallel_loop3A_216 : vector<16x1xi32> to vector<16xi32>
      %parallel_loop3A_218 = tpu.dynamic_gather %get3A_3[%parallel_loop3A_217] in [0] : vector<16xf32>, vector<16xi32> -> vector<16xf32>
      %parallel_loop3A_219 = arith.addf %parallel_loop3A_204, %parallel_loop3A_218 : vector<16xf32>
      scf.yield %parallel_loop3A_203, %parallel_loop3A_215, %parallel_loop3A_205, %parallel_loop3A_219 : vector<16xf32>, vector<16xf32>, vector<16xf32>, vector<16xf32>
    } {sc.loop_unroll_factor = 8 : i64, sc.parallel_access}
    %add3A_175 = arith.addf %parallel_loop3A_174#0, %parallel_loop3A_174#1 : vector<16xf32>
    %swap3A_176 = arith.constant 448 : index
    %swap3A_177 = tpu.vector_load %arg8[%swap3A_176] {strides = array<i32>} : memref<512xf32, #tpu.memory_space<vmem>>, vector<16xf32>,
    tpu.vector_store %arg8[%swap3A_176], %add3A_175 {strides = array<i32>} : memref<512xf32, #tpu.memory_space<vmem>>, vector<16xf32>,
    %add3A_178 = arith.addf %parallel_loop3A_174#2, %parallel_loop3A_174#3 : vector<16xf32>
    %swap3A_179 = arith.constant 464 : index
    %swap3A_180 = tpu.vector_load %arg8[%swap3A_179] {strides = array<i32>} : memref<512xf32, #tpu.memory_space<vmem>>, vector<16xf32>,
    tpu.vector_store %arg8[%swap3A_179], %add3A_178 {strides = array<i32>} : memref<512xf32, #tpu.memory_space<vmem>>, vector<16xf32>,
    %parallel_loop3A_181 = arith.constant 0 : i32
    %parallel_loop3A_182 = arith.constant 200 : i32
    %parallel_loop3A_183 = arith.constant 1 : i32
    %parallel_loop3A_184:4 = scf.for %parallel_loop3A_201 = %parallel_loop3A_181 to %parallel_loop3A_182 step %parallel_loop3A_183 iter_args(%parallel_loop3A_202 = %broadcast_in_dim3A_32, %parallel_loop3A_203 = %broadcast_in_dim3A_32, %parallel_loop3A_204 = %broadcast_in_dim3A_32, %parallel_loop3A_205 = %broadcast_in_dim3A_32) -> (vector<16xf32>, vector<16xf32>, vector<16xf32>, vector<16xf32>)  : i32 {
      %parallel_loop3A_206 = arith.index_cast %parallel_loop3A_201 : i32 to index
      %parallel_loop3A_207 = arith.constant 480 : index
      %parallel_loop3A_208 = tpu.vector_load %arg6[%parallel_loop3A_206, %parallel_loop3A_207] {strides = array<i32>} : memref<200x512xi32, #tpu.memory_space<vmem>>, vector<16xi32>,
      %parallel_loop3A_209 = arith.index_cast %parallel_loop3A_201 : i32 to index
      %parallel_loop3A_210 = arith.constant 496 : index
      %parallel_loop3A_211 = tpu.vector_load %arg6[%parallel_loop3A_209, %parallel_loop3A_210] {strides = array<i32>} : memref<200x512xi32, #tpu.memory_space<vmem>>, vector<16xi32>,
      %parallel_loop3A_212 = vector.shape_cast %parallel_loop3A_208 : vector<16xi32> to vector<16x1xi32>
      %parallel_loop3A_213 = vector.shape_cast %parallel_loop3A_212 : vector<16x1xi32> to vector<16xi32>
      %parallel_loop3A_214 = tpu.dynamic_gather %get3A_3[%parallel_loop3A_213] in [0] : vector<16xf32>, vector<16xi32> -> vector<16xf32>
      %parallel_loop3A_215 = arith.addf %parallel_loop3A_202, %parallel_loop3A_214 : vector<16xf32>
      %parallel_loop3A_216 = vector.shape_cast %parallel_loop3A_211 : vector<16xi32> to vector<16x1xi32>
      %parallel_loop3A_217 = vector.shape_cast %parallel_loop3A_216 : vector<16x1xi32> to vector<16xi32>
      %parallel_loop3A_218 = tpu.dynamic_gather %get3A_3[%parallel_loop3A_217] in [0] : vector<16xf32>, vector<16xi32> -> vector<16xf32>
      %parallel_loop3A_219 = arith.addf %parallel_loop3A_204, %parallel_loop3A_218 : vector<16xf32>
      scf.yield %parallel_loop3A_203, %parallel_loop3A_215, %parallel_loop3A_205, %parallel_loop3A_219 : vector<16xf32>, vector<16xf32>, vector<16xf32>, vector<16xf32>
    } {sc.loop_unroll_factor = 8 : i64, sc.parallel_access}
    %add3A_185 = arith.addf %parallel_loop3A_184#0, %parallel_loop3A_184#1 : vector<16xf32>
    %swap3A_186 = arith.constant 480 : index
    %swap3A_187 = tpu.vector_load %arg8[%swap3A_186] {strides = array<i32>} : memref<512xf32, #tpu.memory_space<vmem>>, vector<16xf32>,
    tpu.vector_store %arg8[%swap3A_186], %add3A_185 {strides = array<i32>} : memref<512xf32, #tpu.memory_space<vmem>>, vector<16xf32>,
    %add3A_188 = arith.addf %parallel_loop3A_184#2, %parallel_loop3A_184#3 : vector<16xf32>
    %swap3A_189 = arith.constant 496 : index
    %swap3A_190 = tpu.vector_load %arg8[%swap3A_189] {strides = array<i32>} : memref<512xf32, #tpu.memory_space<vmem>>, vector<16xf32>,
    tpu.vector_store %arg8[%swap3A_189], %add3A_188 {strides = array<i32>} : memref<512xf32, #tpu.memory_space<vmem>>, vector<16xf32>,
    "tpu.region"() ({
      %run_scoped3A = tpu.sem_alloc : memref<!tpu.dma_semaphore, #tpu.memory_space<semaphore_mem>>
      %dma_start3A_201 = tpu.memref_slice %arg5[%mul3A_2] : memref<16384xf32, #tpu.memory_space<hbm>> -> memref<512xf32, #tpu.memory_space<hbm>>
      %dma_start3A_202 = tpu.memref_slice %arg5[%mul3A_2] : memref<16384xf32, #tpu.memory_space<hbm>> -> memref<512xf32, #tpu.memory_space<hbm>>
      tpu.enqueue_dma source(%arg8 : memref<512xf32, #tpu.memory_space<vmem>>) target(%dma_start3A_202 : memref<512xf32, #tpu.memory_space<hbm>>) target_semaphore(%run_scoped3A : memref<!tpu.dma_semaphore, #tpu.memory_space<semaphore_mem>>)
      %dma_wait3A_203 = tpu.memref_slice %arg5[%mul3A_2] : memref<16384xf32, #tpu.memory_space<hbm>> -> memref<512xf32, #tpu.memory_space<hbm>>
      %dma_wait3A_204 = tpu.memref_slice %arg5[%mul3A_2] : memref<16384xf32, #tpu.memory_space<hbm>> -> memref<512xf32, #tpu.memory_space<hbm>>
      tpu.wait_dma2 semaphore(%run_scoped3A : memref<!tpu.dma_semaphore, #tpu.memory_space<semaphore_mem>>) src(%arg8 : memref<512xf32, #tpu.memory_space<vmem>>) dst(%dma_wait3A_204 : memref<512xf32, #tpu.memory_space<hbm>>)
      tpu.yield
    }) : () -> ()
    %dma_wait3A_191 = arith.constant 0 : i32
    %dma_wait3A_192 = arith.constant 0 : i32
    %dma_wait3A_193 = tpu.memref_slice %arg6[%dma_wait3A_191, %dma_wait3A_192] : memref<200x512xi32, #tpu.memory_space<vmem>> -> memref<200x512xi32, #tpu.memory_space<vmem>>
    %dma_wait3A_194 = arith.constant 0 : i32
    %dma_wait3A_195 = tpu.memref_slice %arg4[%dma_wait3A_194, %mul3A_2] : memref<200x16384xi32, #tpu.memory_space<hbm>> -> memref<200x512xi32, #tpu.memory_space<hbm>>
    %dma_wait3A_196 = arith.constant 0 : i32
    %dma_wait3A_197 = tpu.memref_slice %arg4[%dma_wait3A_196, %mul3A_2] : memref<200x16384xi32, #tpu.memory_space<hbm>> -> memref<200x512xi32, #tpu.memory_space<hbm>>
    %dma_wait3A_198 = arith.constant 0 : i32
    %dma_wait3A_199 = arith.constant 0 : i32
    %dma_wait3A_200 = tpu.memref_slice %arg6[%dma_wait3A_198, %dma_wait3A_199] : memref<200x512xi32, #tpu.memory_space<vmem>> -> memref<200x512xi32, #tpu.memory_space<vmem>>
    tpu.wait_dma2 semaphore(%arg10 : memref<!tpu.dma_semaphore, #tpu.memory_space<semaphore_mem>>) src(%dma_wait3A_200 : memref<200x512xi32, #tpu.memory_space<vmem>>) dst(%dma_wait3A_197 : memref<200x512xi32, #tpu.memory_space<hbm>>)
    return
  }
}

</mosaic_0001>

<sc_bundles>
// kernel: energy_shifter_sc.3.cloned.1.call-start
scs
__scs_entry_jumppad:
0x0: {  	(pc) =	sbr.rel $0x88, $3  }
0x1: {  	(tag) =	ssettag $0x0;
	lr =	simm.s32 $0x1  }
0x2: {  	[smem:$0x3F9E] =	sst lr;
	_ =	strace $0xD0000000  }
0x3: {  	_ = 	snop  }
0x4: {  	_ = 	snop  }
0x5: {  	_ = 	snop  }
0x6: {  	_ = 	snop  }
0x7: {  	_ = 	snop  }
__scs_overlays_trampoline_lowered:
0x8: {  	[smem:$0x3FAD] =	sst s0  }
0x9: {  	[smem:$0x3FAE] =	sst s1  }
0xa: {  	[smem:$0x3FAF] =	sst s2  }
0xb: {  	[smem:$0x3FB0] =	sst s3  }
0xc: {  	[smem:$0x3FB1] =	sst s4  }
0xd: {  	[smem:$0x3FB2] =	sst s5  }
0xe: {  	[smem:$0x3FB3] =	sst s6  }
0xf: {  	[smem:$0x3FB4] =	sst s7  }
0x10: {  	[smem:$0x3FB5] =	sst s8  }
0x11: {  	[smem:$0x3FB6] =	sst s9;
	s0 =	simm.s32 @!p0 $0x0  }
0x12: {  	s1 =	sld [smem:$0x3F9C];
	s0 =	simm.s32 @p0 $0x1  }
0x13: {  	[smem:$0x3FB7] =	sst s0;
	s0 =	simm.s32 @!p1 $0x0  }
0x14: {  	s2 =	sld [smem:$0x3F9B];
	s0 =	simm.s32 @p1 $0x1  }
0x15: {  	[smem:$0x3FB8] =	sst s0;
	s0 =	simm.s32 @!p2 $0x0  }
0x16: {  	s3 =	sld [smem:$0x3FDB];
	s0 =	simm.s32 @p2 $0x1  }
0x17: {  	s4 =	simm.s32 $0x1BF5;
	[smem:$0x3FBA] =	sst s0  }
0x18: {  	s0 =	sld [smem:$0x3F9D];
	_ =	swait.ge [sflag:s4], $0x0  }
0x19: {  	s7 =	sld [smem:$0x3F9E]  }
0x1a: {  	s8 =	sadd.s32 $0xFFFFE003, lr  }
0x1b: {  	s9 =	sadd.s32 $0xFFFFFEF7, lr;
	s5 =	simm.s32 $0xFFFFFFFF;
	p2 =	slt.u32 s8, $0xFFFFF086  }
0x1c: {  	p1 =	slt.u32 s9, $0xF7A;
	s5 =	simm.s32 @!p2 $0x0  }
0x1d: {  	s5 =	simm.s32 @p1 $0x1;
	p0 =	seq.s32 s7, s2  }
0x1e: {  	s7 =	smul.u32 @!p0 $0xF7A, s2;
	p2 =	seq.s32 @!p0 s5, $0x0  }
0x1f: {  	s9 =	smul.u32 $0xF7A, s1;
	s8 =	simm.s32 @!p0 $0x1BF5;
	p2 =	por !p2, p0  }
0x20: {  	[sflag:s8] =	ssyncset.s32 @!p0 $0xFFFFF086;
	s6 =	sadd.s32 @!p0 s3, s7;
	s7 =	simm.s32 @!p0 $0x108  }
0x21: {  	s3 =	sadd.s32 s3, s9;
	s6 =	sadd.s32 @!p0 $0x88, s6;
	s7 =	simm.s32 @p2 $0x1082  }
0x22: {  	[simem:s7], [sflag:s8] =	dma.local @!p0 [hbm:s6], $0xF7A  }
0x23: {  	s9 =	sor.u32 $0xD0000000, s2;
	s6 =	simm.s32 $0x108;
	_ =	swait.ge @!p0 [sflag:s8], $0x0  }
0x24: {  	s3 =	sadd.s32 $0x88, s3;
	s6 =	simm.s32 @!p1 $0x1082;
	[sflag:s4] =	ssyncset.s32 $0xFFFFF086  }
0x25: {  	[simem:s6], [sflag:s4] =	dma.local [hbm:s3], $0xF7A  }
0x26: {  	[smem:$0x3F9E] =	sst s1;
	(tag) =	ssettag s2;
	_ =	strace s9  }
0x27: {  	s1 =	sld [smem:$0x3FAE]  }
0x28: {  	s2 =	sld [smem:$0x3FAF]  }
0x29: {  	s4 =	sld [smem:$0x3FB1]  }
0x2a: {  	p0 =	seq.s32 s5, $0x0;
	s5 =	sld [smem:$0x3FB2]  }
0x2b: {  	s6 =	sld [smem:$0x3FB3]  }
0x2c: {  	s7 =	sld [smem:$0x3FB4]  }
0x2d: {  	s3 =	simm.s32 $0x108;
	s8 =	sld [smem:$0x3FB5]  }
0x2e: {  	s3 =	simm.s32 @!p0 $0x1082;
	s9 =	sld [smem:$0x3FB6]  }
0x2f: {  	lr =	sadd.s32 s0, s3;
	s0 =	sld [smem:$0x3FAD]  }
0x30: {  	s3 =	sld [smem:$0x3FB0]  }
0x31: {  	[smem:$0x3FB9] =	sst s10  }
0x32: {  	s10 =	sld [smem:$0x3FB7];
	_ =	sdelay $0x3  }
0x33: {  	p0 =	seq.s32 s10, $0x1;
	s10 =	sld [smem:$0x3FB9];
	_ =	sdelay $0x3  }
0x34: {  	[smem:$0x3FB9] =	sst s10  }
0x35: {  	s10 =	sld [smem:$0x3FB8];
	_ =	sdelay $0x3  }
0x36: {  	p1 =	seq.s32 s10, $0x1;
	s10 =	sld [smem:$0x3FB9];
	_ =	sdelay $0x3  }
0x37: {  	[smem:$0x3FB9] =	sst s10  }
0x38: {  	s10 =	sld [smem:$0x3FBA]  }
0x39: {  	_ = 	snop;
	(pc) =	sbr.ind lr, $3  }
0x3a: {  	_ = 	snop  }
0x3b: {  	_ = 	snop  }
0x3c: {  	p2 =	seq.s32 s10, $0x1;
	s10 =	sld [smem:$0x3FB9]  }
0x3d: {  	_ =	shalt  }
0x3e: {  	_ =	shalt  }
0x3f: {  	_ =	shalt  }
0x40: {  	_ =	shalt  }
0x41: {  	_ =	shalt  }
0x42: {  	_ =	shalt  }
0x43: {  	_ =	shalt  }
0x44: {  	_ =	shalt  }
0x45: {  	_ =	shalt  }
0x46: {  	_ =	shalt  }
0x47: {  	_ =	shalt  }
0x48: {  	_ =	shalt  }
0x49: {  	_ =	shalt  }
0x4a: {  	_ =	shalt  }
0x4b: {  	_ =	shalt  }
0x4c: {  	_ =	shalt  }
0x4d: {  	_ =	shalt  }
0x4e: {  	_ =	shalt  }
0x4f: {  	_ =	shalt  }
0x50: {  	_ =	shalt  }
0x51: {  	_ =	shalt  }
0x52: {  	_ =	shalt  }
0x53: {  	_ =	shalt  }
0x54: {  	_ =	shalt  }
0x55: {  	_ =	shalt  }
0x56: {  	_ =	shalt  }
0x57: {  	_ =	shalt  }
0x58: {  	_ =	shalt  }
0x59: {  	_ =	shalt  }
0x5a: {  	_ =	shalt  }
0x5b: {  	_ =	shalt  }
0x5c: {  	_ =	shalt  }
0x5d: {  	_ =	shalt  }
0x5e: {  	_ =	shalt  }
0x5f: {  	_ =	shalt  }
0x60: {  	_ =	shalt  }
0x61: {  	_ =	shalt  }
0x62: {  	_ =	shalt  }
0x63: {  	_ =	shalt  }
0x64: {  	_ =	shalt  }
0x65: {  	_ =	shalt  }
0x66: {  	_ =	shalt  }
0x67: {  	_ =	shalt  }
0x68: {  	_ =	shalt  }
0x69: {  	_ =	shalt  }
0x6a: {  	_ =	shalt  }
0x6b: {  	_ =	shalt  }
0x6c: {  	_ =	shalt  }
0x6d: {  	_ =	shalt  }
0x6e: {  	_ =	shalt  }
0x6f: {  	_ =	shalt  }
0x70: {  	_ =	shalt  }
0x71: {  	_ =	shalt  }
0x72: {  	_ =	shalt  }
0x73: {  	_ =	shalt  }
0x74: {  	_ =	shalt  }
0x75: {  	_ =	shalt  }
0x76: {  	_ =	shalt  }
0x77: {  	_ =	shalt  }
0x78: {  	_ =	shalt  }
0x79: {  	_ =	shalt  }
0x7a: {  	_ =	shalt  }
0x7b: {  	_ =	shalt  }
0x7c: {  	_ =	shalt  }
0x7d: {  	_ =	shalt  }
0x7e: {  	_ =	shalt  }
0x7f: {  	_ =	shalt  }
0x80: {  	_ =	shalt  }
0x81: {  	_ =	shalt  }
0x82: {  	_ =	shalt  }
0x83: {  	_ =	shalt  }
0x84: {  	_ =	shalt  }
0x85: {  	_ =	shalt  }
0x86: {  	_ =	shalt  }
0x87: {  	_ =	shalt  }
.Lfunc_end0:
.L_simem_size_0:
called_computation_lowered:
.L_overlay_start_0:
0x88: {  	s2 =	sld [smem:$0x3FD9]  }
0x89: {  	s3 =	sld [smem:$0x3FFE];
	_ =	sdelay $0x1  }
0x8a: {  	s1 =	srdreg.scid  }
0x8b: {  	s0 =	sand.u32 $0x1, s1  }
0x8c: {  	s14 =	sshll.u32 s0, $0xA;
	s2 =	sadd.s32 s3, s2  }
0x8d: {  	s2 =	sadd.s32 s2, s14  }
0x8e: {  	[smem:$0x3FC5] =	sst s2  }
0x8f: {  	_ = 	snop  }
0x90: {  	s2 =	sld [smem:$0x3FD0];
	_ =	sdelay $0x2  }
0x91: {  	s4 =	simm.s32 $0xA;
	s5 =	simm.s32 $0x10;
	s15 =	sld [smem:$0x3FC9]  }
0x92: {  	[smem:s5], [sflag:s4] =	dma.local [hbm:s2], $0x1  }
0x93: {  	_ =	swait.eq [sflag:s4], $0x1  }
0x94: {  	[sflag:s4] =	ssyncset.done $0x0  }
0x95: {  	s16 =	sld [smem:$0x10];
	[sflag:s4] =	ssyncadd.s32 $0xFFFFFFFF  }
0x96: {  	s17 =	sld [smem:$0x11];
	(tm) =	ssettm $0x1  }
0x97: {  	s18 =	sld [smem:$0x3FFB];
	_ =	sdelay $0x3  }
0x98: {  	_ =	strace s18  }
0x99: {  	s5 =	sld [smem:$0x3FFC];
	_ =	sdelay $0x3  }
0x9a: {  	_ =	strace s5  }
0x9b: {  	s5 =	sld [smem:$0x3FFD];
	_ =	sdelay $0x3  }
0x9c: {  	_ =	strace s5  }
0x9d: {  	_ =	strace $0x8FFFFFFF  }
0x9e: {  	s19 =	sld [smem:$0x3FDB];
	_ =	sdelay $0x1  }
0x9f: {  	s6 =	simm.s32 $_scs_section_size  }
0xa0: {  	s7 =	simm.s32 $_size__tile_overlayer_lowered;
	s8 =	simm.s32 $_tile_overlayer_lowered  }
0xa1: {  	s22 =	simm.s32 $0x1BFF;
	s21 =	sshll.u32 s8, $0x1;
	s5 =	sadd.s32 s6, s19  }
0xa2: {  	s9 =	simm.s32 $0x0;
	s20 =	sshll.u32 s7, $0x1;
	s7 =	sadd.s32 s21, s5  }
0xa3: {  	[timem:s9], [sflag:s22] =	dma.local [hbm:s7], s20  }
0xa4: {  	_ =	swait.ge [sflag:s22], s20  }
0xa5: {  	s6 =	ssub.s32 $0x0, s20;
	[sflag:s22] =	ssyncset.done $0x0  }
0xa6: {  	[sflag:s22] =	ssyncadd.s32 s6;
	_ =	sdelay $0x1  }
0xa7: {  	s23 =	simm.s32 $0x1B8B  }
0xa8: {  	_ =	swait.ge [sflag:s23], $0x1  }
0xa9: {  	[sflag:s23] =	ssyncset.done $0x0  }
0xaa: {  	s25 =	simm.s32 $0x1B8E;
	s24 =	sld [smem:$0x3FFE];
	[sflag:s23] =	ssyncadd.s32 $0xFFFFFFFF  }
0xab: {  	s26 =	simm.s32 $execute0_lowered;
	[smem:$0x3FD2] =	sst s25  }
0xac: {  	s7 =	sshll.u32 s26, $0x1;
	_ =	strace $0x80000046;
	[dreg:$0x1] =	wrdreg $0xFFFFFFFF  }
0xad: {  	s28 =	simm.s32 $_size_execute0_lowered;
	s5 =	sadd.s32 s5, s7;
	[dreg:$0x0] =	wrdreg $0x0  }
0xae: {  	s7 =	sshll.u32 s28, $0x1;
	[dreg:$0x2] =	wrdreg s5  }
0xaf: {  	[dreg:$0x3] =	wrdreg s7  }
0xb0: {  	[dreg:$0x4] =	wrdreg $0xC0  }
0xb1: {  	_ =	task [dreg:s9], $0x5FFFF  }
0xb2: {  	[dreg:$0x1] =	wrdreg $0xFFFFFFFF  }
0xb3: {  	[dreg:$0x0] =	wrdreg $0x60  }
0xb4: {  	[dreg:$0x2] =	wrdreg s15  }
0xb5: {  	[dreg:$0x3] =	wrdreg s24  }
0xb6: {  	[dreg:$0x4] =	wrdreg s16  }
0xb7: {  	[dreg:$0x5] =	wrdreg s17  }
0xb8: {  	[dreg:$0x6] =	wrdreg $0x9  }
0xb9: {  	_ =	task.clear_ibuf [dreg:s9], $0x7FFFF;
	_ =	strace $0x90000046  }
0xba: {  	s29 =	simm.s32 $0x9;
	_ =	strace $0x80000048  }
0xbb: {  	_ =	swait.ge [sflag:s29], $0x1  }
0xbc: {  	[sflag:s29] =	ssyncadd.s32 $0xFFFFFFFF  }
0xbd: {  	_ =	strace $0x90000048  }
0xbe: {  	_ =	sfence  }
0xbf: {  	s30 =	sld [smem:$0x0];
	_ =	sdelay $0x2  }
0xc0: {  	s31 =	sshll.u32 s1, $0xD;
	s1 =	sshrl.u32 s1, $0x2  }
0xc1: {  	s3 =	sand.u32 $0x4000, s31;
	s1 =	sadd.s32 s1, s30  }
0xc2: {  	s0 =	sor.u32 s3, s0;
	s1 =	sshll.u32 s1, $0x11  }
0xc3: {  	s0 =	sor.u32 s1, s0  }
0xc4: {  	s0 =	sadd.s32 $0x8F2B, s0  }
0xc5: {  	[sflag:s0] =	ssyncadd.remote.s32 $0x1  }
0xc6: {  	_ =	sfence.sel $0xFFFF  }
0xc7: {  	[dreg:$0x0] =	wrdreg $0xFFFFFFFF;
	(pc) =	sbr.abs _section_cstart, $3  }
0xc8: {  	[dreg:$0x1] =	wrdreg $0xFFFFFFFF  }
0xc9: {  	_ =	task.clear_ibuf [dreg:s9], $0x2FFFF;
	_ =	strace $0x9FFFFFFF  }
0xca: {  	(tm) =	ssettm $0x7FFFFFFF  }
0xcb: {  	_ =	shalt  }
tec
execute0_lowered:
.L_overlay_start_1:
0x0: {  	(tag) =	ssettag $0x1  }
0x1: {  	s4 =	rddreg [dreg:$0x0]  }
0x2: {  	s3 =	rddreg [dreg:$0x1]  }
0x3: {  	s5 =	rddreg [dreg:$0x2]  }
0x4: {  	s6 =	rddreg [dreg:$0x3]  }
0x5: {  	s0 =	rddreg [dreg:$0x4];
	s2 =	simm.s32 $0x0;
	s7 =	srdreg.scid  }
0x6: {  	s1 =	stileid.u32;
	s11 =	simm.s32 $0x20000;
	s12 =	simm.s32 $0x1  }
0x7: {  	s13 =	simm.s32 $0x19080;
	s14 =	simm.s32 $0x2;
	s15 =	simm.s32 $0x0  }
0x8: {  	[smem:$0x7FF] =	sst s2;
	s7 =	sand.u32 $0x1, s7;
	s9 =	sshll.u32 s1, $0xA  }
0x9: {  	s3 =	sadd.s32 $0x800, s3;
	s8 =	ssub.s32 $0x2, s7;
	s7 =	sshll.u32 s7, $0x9  }
0xa: {  	_ =	strace $0x80000047;
	s10 =	sshrl.u32 s8, $0x1;
	s7 =	sor.u32 s7, s9  }
0xb: {  	s8 =	ssub.s32 s8, s10;
	s9 =	sshrl.u32 s7, $0x3;
	s4 =	sadd.s32 s4, s7  }
0xc: {  	s5 =	sadd.s32 s5, s7;
	s10 =	simm.s32 $0x1000;
	s6 =	sadd.s32 s6, s9  }
0xd: {  	s7 =	smax.u32 s8, $0x1;
	s8 =	simm.s32 $0x19000;
	s9 =	simm.s32 $0x3  }
.LBB2_1:
0xe: {  	[tilespmem:s8], [sflag:$0x3] =	stream.linear.gather [hbm4b:s3+s2], $0x7, $0x38;
	[tilespmem:$0x19280] =	vst v63  }
0xf: {  	_ =	swait.ge [sflag:s9], $0x7  }
0x10: {  	[sflag:s9] =	ssyncset.done $0x0  }
0x11: {  	[sflag:s9] =	ssyncadd.s32 $0xFFFFFFF9  }
0x12: {  	v0 =	vld [tilespmem:$0x19000];
	[tilespmem:s2], [sflag:$0x1] =	stream.strided.gather [hbm4b:s4+s10], $0x19000, s11, s10, $0x38  }
0x13: {  	_ =	swait.ge [sflag:s12], $0x19000  }
0x14: {  	[sflag:s12] =	ssyncset.done $0x0  }
0x15: {  	s17 =	simm.s32 $0x200;
	[sflag:s12] =	ssyncadd.s32 $0xFFFE7000  }
0x16: {  	[hbm4b:s5+s10] =	stream.strided.scatter [tilespmem:s2], [sflag:$0x2], $0x19000, s11, s10, $0x38;
	[tilespmem:$0x19280] =	vst v63  }
0x17: {  	v1 =	vld [tilespmem:s17+$0x100]  }
0x18: {  	v3 =	vld [tilespmem:s17+$0x110]  }
0x19: {  	v4 =	vld [tilespmem:s17+$0x0]  }
0x1a: {  	v5 =	vld [tilespmem:s17+$0x10]  }
0x1b: {  	v7 =	vld [tilespmem:s17+$0xFFFFFF00]  }
0x1c: {  	v9 =	vld [tilespmem:s17+$0xFFFFFF10]  }
0x1d: {  	v10 =	vld [tilespmem:s17+$0xFFFFFE00]  }
0x1e: {  	v12 =	vld [tilespmem:s17+$0xFFFFFE10]  }
0x1f: {  	v13 =	vld [tilespmem:s17+$0xFFFFFE80]  }
0x20: {  	v14 =	vld [tilespmem:s17+$0xFFFFFE90]  }
0x21: {  	v19 =	vld [tilespmem:s17+$0xFFFFFF80];
	v2 =	vperm.xlane v0, v1  }
0x22: {  	v1 =	vperm.xlane v0, v3;
	v4 =	vperm.xlane v0, v4  }
0x23: {  	v6 =	vld [tilespmem:s17+$0xFFFFFF90];
	v3 =	vperm.xlane v0, v5;
	v7 =	vperm.xlane v0, v7  }
0x24: {  	v8 =	vld [tilespmem:s17+$0x80];
	v15 =	vperm.xlane v0, v10;
	v11 =	vperm.xlane v0, v9  }
0x25: {  	v12 =	vperm.xlane v0, v12;
	v9 =	vld [tilespmem:s17+$0x90];
	v17 =	vperm.xlane v0, v13  }
0x26: {  	v5 =	vimm.f32 $0.0e+00;
	v18 =	vperm.xlane v0, v14;
	v10 =	vld [tilespmem:s17+$0x180];
	v14 =	vperm.xlane v0, v19  }
0x27: {  	s16 =	simm.s32 $0x0;
	v13 =	vimm.f32 $0.0e+00;
	v16 =	vadd.f32 v15, v5;
	v15 =	vadd.f32 v12, v5;
	v12 =	vld [tilespmem:s17+$0x190];
	s17 =	simm.s32 $0x1200  }
.LBB2_2:
0x28: {  	v19 =	vld [tilespmem:s17+$0x100];
	v5 =	vadd.f32 v17, v5;
	v13 =	vadd.f32 v18, v13;
	v6 =	vperm.xlane v0, v6  }
0x29: {  	v17 =	vld [tilespmem:s17+$0x110];
	v7 =	vadd.f32 v7, v16;
	v11 =	vadd.f32 v11, v15;
	v8 =	vperm.xlane v0, v8  }
0x2a: {  	v15 =	vld [tilespmem:s17+$0x0];
	v5 =	vadd.f32 v14, v5;
	v6 =	vadd.f32 v6, v13;
	v9 =	vperm.xlane v0, v9  }
0x2b: {  	v14 =	vld [tilespmem:s17+$0x10];
	v4 =	vadd.f32 v4, v7;
	v3 =	vadd.f32 v3, v11;
	v7 =	vperm.xlane v0, v10  }
0x2c: {  	v10 =	vld [tilespmem:s17+$0xFFFFFF00];
	v5 =	vadd.f32 v8, v5;
	v6 =	vadd.f32 v9, v6;
	v8 =	vperm.xlane v0, v12  }
0x2d: {  	v9 =	vld [tilespmem:s17+$0xFFFFFF10];
	v12 =	vadd.f32 v2, v4;
	v20 =	vadd.f32 v1, v3  }
0x2e: {  	v16 =	vld [tilespmem:s17+$0xFFFFFE00];
	v5 =	vadd.f32 v7, v5;
	v13 =	vadd.f32 v8, v6  }
0x2f: {  	v18 =	vld [tilespmem:s17+$0xFFFFFE10]  }
0x30: {  	v21 =	vld [tilespmem:s17+$0xFFFFFE80]  }
0x31: {  	s16 =	sadd.s32 $0x8, s16;
	v22 =	vld [tilespmem:s17+$0xFFFFFE90]  }
0x32: {  	p0 =	slt.u32 s16, $0xC0;
	v2 =	vperm.xlane v0, v19;
	v1 =	vperm.xlane v0, v17;
	v23 =	vld [tilespmem:s17+$0xFFFFFF80]  }
.Ltmp0:
0x33: {  	v4 =	vperm.xlane v0, v15;
	v3 =	vperm.xlane v0, v14;
	v6 =	vld [tilespmem:s17+$0xFFFFFF90];
	(pc) =	sbr.rel @p0 .LBB2_2-.Ltmp0, $4  }
0x34: {  	v7 =	vperm.xlane v0, v10;
	v11 =	vperm.xlane v0, v9;
	v8 =	vld [tilespmem:s17+$0x80]  }
0x35: {  	v14 =	vperm.xlane v0, v16;
	v15 =	vperm.xlane v0, v18;
	v9 =	vld [tilespmem:s17+$0x90]  }
0x36: {  	v17 =	vperm.xlane v0, v21;
	v18 =	vperm.xlane v0, v22;
	v10 =	vld [tilespmem:s17+$0x180]  }
0x37: {  	v16 =	vadd.f32 v14, v12;
	v15 =	vadd.f32 v15, v20;
	v14 =	vperm.xlane v0, v23;
	v12 =	vld [tilespmem:s17+$0x190];
	s17 =	sadd.s32 $0x1000, s17  }
0x38: {  	v5 =	vadd.f32 v17, v5  }
0x39: {  	v13 =	vadd.f32 v18, v13;
	v6 =	vperm.xlane v0, v6  }
0x3a: {  	v7 =	vadd.f32 v7, v16;
	v8 =	vperm.xlane v0, v8;
	v5 =	vadd.f32 v14, v5  }
0x3b: {  	v11 =	vadd.f32 v11, v15;
	v6 =	vadd.f32 v6, v13;
	v9 =	vperm.xlane v0, v9  }
0x3c: {  	v4 =	vadd.f32 v4, v7;
	v7 =	vperm.xlane v0, v10;
	v5 =	vadd.f32 v8, v5  }
0x3d: {  	v3 =	vadd.f32 v3, v11;
	v6 =	vadd.f32 v9, v6;
	v8 =	vperm.xlane v0, v12  }
0x3e: {  	v2 =	vadd.f32 v2, v4;
	v4 =	vadd.f32 v7, v5  }
0x3f: {  	v1 =	vadd.f32 v1, v3;
	v3 =	vadd.f32 v8, v6  }
0x40: {  	v2 =	vadd.f32 v4, v2  }
0x41: {  	v1 =	vadd.f32 v3, v1  }
0x42: {  	[tilespmem:$0x19080] =	vst v2  }
0x43: {  	s17 =	simm.s32 $0x220;
	[tilespmem:$0x19090] =	vst v1  }
0x44: {  	v1 =	vld [tilespmem:s17+$0x100]  }
0x45: {  	v3 =	vld [tilespmem:s17+$0x110]  }
0x46: {  	v4 =	vld [tilespmem:s17+$0x0]  }
0x47: {  	v5 =	vld [tilespmem:s17+$0x10]  }
0x48: {  	v7 =	vld [tilespmem:s17+$0xFFFFFF00]  }
0x49: {  	v9 =	vld [tilespmem:s17+$0xFFFFFF10]  }
0x4a: {  	v10 =	vld [tilespmem:s17+$0xFFFFFE00]  }
0x4b: {  	v12 =	vld [tilespmem:s17+$0xFFFFFE10]  }
0x4c: {  	v13 =	vld [tilespmem:s17+$0xFFFFFE80]  }
0x4d: {  	v14 =	vld [tilespmem:s17+$0xFFFFFE90]  }
0x4e: {  	v19 =	vld [tilespmem:s17+$0xFFFFFF80];
	v2 =	vperm.xlane v0, v1  }
0x4f: {  	v1 =	vperm.xlane v0, v3;
	v4 =	vperm.xlane v0, v4  }
0x50: {  	v6 =	vld [tilespmem:s17+$0xFFFFFF90];
	v3 =	vperm.xlane v0, v5;
	v7 =	vperm.xlane v0, v7  }
0x51: {  	v8 =	vld [tilespmem:s17+$0x80];
	v15 =	vperm.xlane v0, v10;
	v11 =	vperm.xlane v0, v9  }
0x52: {  	v12 =	vperm.xlane v0, v12;
	v9 =	vld [tilespmem:s17+$0x90];
	v17 =	vperm.xlane v0, v13  }
0x53: {  	v5 =	vimm.f32 $0.0e+00;
	v18 =	vperm.xlane v0, v14;
	v10 =	vld [tilespmem:s17+$0x180];
	v14 =	vperm.xlane v0, v19  }
0x54: {  	s16 =	simm.s32 $0x0;
	v13 =	vimm.f32 $0.0e+00;
	v16 =	vadd.f32 v15, v5;
	v15 =	vadd.f32 v12, v5;
	v12 =	vld [tilespmem:s17+$0x190];
	s17 =	simm.s32 $0x1220  }
.LBB2_4:
0x55: {  	v19 =	vld [tilespmem:s17+$0x100];
	v5 =	vadd.f32 v17, v5;
	v13 =	vadd.f32 v18, v13;
	v6 =	vperm.xlane v0, v6  }
0x56: {  	v17 =	vld [tilespmem:s17+$0x110];
	v7 =	vadd.f32 v7, v16;
	v11 =	vadd.f32 v11, v15;
	v8 =	vperm.xlane v0, v8  }
0x57: {  	v15 =	vld [tilespmem:s17+$0x0];
	v5 =	vadd.f32 v14, v5;
	v6 =	vadd.f32 v6, v13;
	v9 =	vperm.xlane v0, v9  }
0x58: {  	v14 =	vld [tilespmem:s17+$0x10];
	v4 =	vadd.f32 v4, v7;
	v3 =	vadd.f32 v3, v11;
	v7 =	vperm.xlane v0, v10  }
0x59: {  	v10 =	vld [tilespmem:s17+$0xFFFFFF00];
	v5 =	vadd.f32 v8, v5;
	v6 =	vadd.f32 v9, v6;
	v8 =	vperm.xlane v0, v12  }
0x5a: {  	v9 =	vld [tilespmem:s17+$0xFFFFFF10];
	v12 =	vadd.f32 v2, v4;
	v20 =	vadd.f32 v1, v3  }
0x5b: {  	v16 =	vld [tilespmem:s17+$0xFFFFFE00];
	v5 =	vadd.f32 v7, v5;
	v13 =	vadd.f32 v8, v6  }
0x5c: {  	v18 =	vld [tilespmem:s17+$0xFFFFFE10]  }
0x5d: {  	v21 =	vld [tilespmem:s17+$0xFFFFFE80]  }
0x5e: {  	s16 =	sadd.s32 $0x8, s16;
	v22 =	vld [tilespmem:s17+$0xFFFFFE90]  }
0x5f: {  	p0 =	slt.u32 s16, $0xC0;
	v2 =	vperm.xlane v0, v19;
	v1 =	vperm.xlane v0, v17;
	v23 =	vld [tilespmem:s17+$0xFFFFFF80]  }
.Ltmp1:
0x60: {  	v4 =	vperm.xlane v0, v15;
	v3 =	vperm.xlane v0, v14;
	v6 =	vld [tilespmem:s17+$0xFFFFFF90];
	(pc) =	sbr.rel @p0 .LBB2_4-.Ltmp1, $4  }
0x61: {  	v7 =	vperm.xlane v0, v10;
	v11 =	vperm.xlane v0, v9;
	v8 =	vld [tilespmem:s17+$0x80]  }
0x62: {  	v14 =	vperm.xlane v0, v16;
	v15 =	vperm.xlane v0, v18;
	v9 =	vld [tilespmem:s17+$0x90]  }
0x63: {  	v17 =	vperm.xlane v0, v21;
	v18 =	vperm.xlane v0, v22;
	v10 =	vld [tilespmem:s17+$0x180]  }
0x64: {  	v16 =	vadd.f32 v14, v12;
	v15 =	vadd.f32 v15, v20;
	v14 =	vperm.xlane v0, v23;
	v12 =	vld [tilespmem:s17+$0x190];
	s17 =	sadd.s32 $0x1000, s17  }
0x65: {  	v5 =	vadd.f32 v17, v5  }
0x66: {  	v13 =	vadd.f32 v18, v13;
	v6 =	vperm.xlane v0, v6  }
0x67: {  	v7 =	vadd.f32 v7, v16;
	v8 =	vperm.xlane v0, v8;
	v5 =	vadd.f32 v14, v5  }
0x68: {  	v11 =	vadd.f32 v11, v15;
	v6 =	vadd.f32 v6, v13;
	v9 =	vperm.xlane v0, v9  }
0x69: {  	v4 =	vadd.f32 v4, v7;
	v7 =	vperm.xlane v0, v10;
	v5 =	vadd.f32 v8, v5  }
0x6a: {  	v3 =	vadd.f32 v3, v11;
	v6 =	vadd.f32 v9, v6;
	v8 =	vperm.xlane v0, v12  }
0x6b: {  	v2 =	vadd.f32 v2, v4;
	v4 =	vadd.f32 v7, v5  }
0x6c: {  	v1 =	vadd.f32 v1, v3;
	v3 =	vadd.f32 v8, v6  }
0x6d: {  	v2 =	vadd.f32 v4, v2  }
0x6e: {  	v1 =	vadd.f32 v3, v1  }
0x6f: {  	[tilespmem:$0x190A0] =	vst v2  }
0x70: {  	s17 =	simm.s32 $0x240;
	[tilespmem:$0x190B0] =	vst v1  }
0x71: {  	v1 =	vld [tilespmem:s17+$0x100]  }
0x72: {  	v3 =	vld [tilespmem:s17+$0x110]  }
0x73: {  	v4 =	vld [tilespmem:s17+$0x0]  }
0x74: {  	v5 =	vld [tilespmem:s17+$0x10]  }
0x75: {  	v7 =	vld [tilespmem:s17+$0xFFFFFF00]  }
0x76: {  	v9 =	vld [tilespmem:s17+$0xFFFFFF10]  }
0x77: {  	v10 =	vld [tilespmem:s17+$0xFFFFFE00]  }
0x78: {  	v12 =	vld [tilespmem:s17+$0xFFFFFE10]  }
0x79: {  	v13 =	vld [tilespmem:s17+$0xFFFFFE80]  }
0x7a: {  	v14 =	vld [tilespmem:s17+$0xFFFFFE90]  }
0x7b: {  	v19 =	vld [tilespmem:s17+$0xFFFFFF80];
	v2 =	vperm.xlane v0, v1  }
0x7c: {  	v1 =	vperm.xlane v0, v3;
	v4 =	vperm.xlane v0, v4  }
0x7d: {  	v6 =	vld [tilespmem:s17+$0xFFFFFF90];
	v3 =	vperm.xlane v0, v5;
	v7 =	vperm.xlane v0, v7  }
0x7e: {  	v8 =	vld [tilespmem:s17+$0x80];
	v15 =	vperm.xlane v0, v10;
	v11 =	vperm.xlane v0, v9  }
0x7f: {  	v12 =	vperm.xlane v0, v12;
	v9 =	vld [tilespmem:s17+$0x90];
	v17 =	vperm.xlane v0, v13  }
0x80: {  	v5 =	vimm.f32 $0.0e+00;
	v18 =	vperm.xlane v0, v14;
	v10 =	vld [tilespmem:s17+$0x180];
	v14 =	vperm.xlane v0, v19  }
0x81: {  	s16 =	simm.s32 $0x0;
	v13 =	vimm.f32 $0.0e+00;
	v16 =	vadd.f32 v15, v5;
	v15 =	vadd.f32 v12, v5;
	v12 =	vld [tilespmem:s17+$0x190];
	s17 =	simm.s32 $0x1240  }
.LBB2_6:
0x82: {  	v19 =	vld [tilespmem:s17+$0x100];
	v5 =	vadd.f32 v17, v5;
	v13 =	vadd.f32 v18, v13;
	v6 =	vperm.xlane v0, v6  }
0x83: {  	v17 =	vld [tilespmem:s17+$0x110];
	v7 =	vadd.f32 v7, v16;
	v11 =	vadd.f32 v11, v15;
	v8 =	vperm.xlane v0, v8  }
0x84: {  	v15 =	vld [tilespmem:s17+$0x0];
	v5 =	vadd.f32 v14, v5;
	v6 =	vadd.f32 v6, v13;
	v9 =	vperm.xlane v0, v9  }
0x85: {  	v14 =	vld [tilespmem:s17+$0x10];
	v4 =	vadd.f32 v4, v7;
	v3 =	vadd.f32 v3, v11;
	v7 =	vperm.xlane v0, v10  }
0x86: {  	v10 =	vld [tilespmem:s17+$0xFFFFFF00];
	v5 =	vadd.f32 v8, v5;
	v6 =	vadd.f32 v9, v6;
	v8 =	vperm.xlane v0, v12  }
0x87: {  	v9 =	vld [tilespmem:s17+$0xFFFFFF10];
	v12 =	vadd.f32 v2, v4;
	v20 =	vadd.f32 v1, v3  }
0x88: {  	v16 =	vld [tilespmem:s17+$0xFFFFFE00];
	v5 =	vadd.f32 v7, v5;
	v13 =	vadd.f32 v8, v6  }
0x89: {  	v18 =	vld [tilespmem:s17+$0xFFFFFE10]  }
0x8a: {  	v21 =	vld [tilespmem:s17+$0xFFFFFE80]  }
0x8b: {  	s16 =	sadd.s32 $0x8, s16;
	v22 =	vld [tilespmem:s17+$0xFFFFFE90]  }
0x8c: {  	p0 =	slt.u32 s16, $0xC0;
	v2 =	vperm.xlane v0, v19;
	v1 =	vperm.xlane v0, v17;
	v23 =	vld [tilespmem:s17+$0xFFFFFF80]  }
.Ltmp2:
0x8d: {  	v4 =	vperm.xlane v0, v15;
	v3 =	vperm.xlane v0, v14;
	v6 =	vld [tilespmem:s17+$0xFFFFFF90];
	(pc) =	sbr.rel @p0 .LBB2_6-.Ltmp2, $4  }
0x8e: {  	v7 =	vperm.xlane v0, v10;
	v11 =	vperm.xlane v0, v9;
	v8 =	vld [tilespmem:s17+$0x80]  }
0x8f: {  	v14 =	vperm.xlane v0, v16;
	v15 =	vperm.xlane v0, v18;
	v9 =	vld [tilespmem:s17+$0x90]  }
0x90: {  	v17 =	vperm.xlane v0, v21;
	v18 =	vperm.xlane v0, v22;
	v10 =	vld [tilespmem:s17+$0x180]  }
0x91: {  	v16 =	vadd.f32 v14, v12;
	v15 =	vadd.f32 v15, v20;
	v14 =	vperm.xlane v0, v23;
	v12 =	vld [tilespmem:s17+$0x190];
	s17 =	sadd.s32 $0x1000, s17  }
0x92: {  	v5 =	vadd.f32 v17, v5  }
0x93: {  	v13 =	vadd.f32 v18, v13;
	v6 =	vperm.xlane v0, v6  }
0x94: {  	v7 =	vadd.f32 v7, v16;
	v8 =	vperm.xlane v0, v8;
	v5 =	vadd.f32 v14, v5  }
0x95: {  	v11 =	vadd.f32 v11, v15;
	v6 =	vadd.f32 v6, v13;
	v9 =	vperm.xlane v0, v9  }
0x96: {  	v4 =	vadd.f32 v4, v7;
	v7 =	vperm.xlane v0, v10;
	v5 =	vadd.f32 v8, v5  }
0x97: {  	v3 =	vadd.f32 v3, v11;
	v6 =	vadd.f32 v9, v6;
	v8 =	vperm.xlane v0, v12  }
0x98: {  	v2 =	vadd.f32 v2, v4;
	v4 =	vadd.f32 v7, v5  }
0x99: {  	v1 =	vadd.f32 v1, v3;
	v3 =	vadd.f32 v8, v6  }
0x9a: {  	v2 =	vadd.f32 v4, v2  }
0x9b: {  	v1 =	vadd.f32 v3, v1  }
0x9c: {  	[tilespmem:$0x190C0] =	vst v2  }
0x9d: {  	s17 =	simm.s32 $0x260;
	[tilespmem:$0x190D0] =	vst v1  }
0x9e: {  	v1 =	vld [tilespmem:s17+$0x100]  }
0x9f: {  	v3 =	vld [tilespmem:s17+$0x110]  }
0xa0: {  	v4 =	vld [tilespmem:s17+$0x0]  }
0xa1: {  	v5 =	vld [tilespmem:s17+$0x10]  }
0xa2: {  	v7 =	vld [tilespmem:s17+$0xFFFFFF00]  }
0xa3: {  	v9 =	vld [tilespmem:s17+$0xFFFFFF10]  }
0xa4: {  	v10 =	vld [tilespmem:s17+$0xFFFFFE00]  }
0xa5: {  	v12 =	vld [tilespmem:s17+$0xFFFFFE10]  }
0xa6: {  	v13 =	vld [tilespmem:s17+$0xFFFFFE80]  }
0xa7: {  	v14 =	vld [tilespmem:s17+$0xFFFFFE90]  }
0xa8: {  	v19 =	vld [tilespmem:s17+$0xFFFFFF80];
	v2 =	vperm.xlane v0, v1  }
0xa9: {  	v1 =	vperm.xlane v0, v3;
	v4 =	vperm.xlane v0, v4  }
0xaa: {  	v6 =	vld [tilespmem:s17+$0xFFFFFF90];
	v3 =	vperm.xlane v0, v5;
	v7 =	vperm.xlane v0, v7  }
0xab: {  	v8 =	vld [tilespmem:s17+$0x80];
	v15 =	vperm.xlane v0, v10;
	v11 =	vperm.xlane v0, v9  }
0xac: {  	v12 =	vperm.xlane v0, v12;
	v9 =	vld [tilespmem:s17+$0x90];
	v17 =	vperm.xlane v0, v13  }
0xad: {  	v5 =	vimm.f32 $0.0e+00;
	v18 =	vperm.xlane v0, v14;
	v10 =	vld [tilespmem:s17+$0x180];
	v14 =	vperm.xlane v0, v19  }
0xae: {  	s16 =	simm.s32 $0x0;
	v13 =	vimm.f32 $0.0e+00;
	v16 =	vadd.f32 v15, v5;
	v15 =	vadd.f32 v12, v5;
	v12 =	vld [tilespmem:s17+$0x190];
	s17 =	simm.s32 $0x1260  }
.LBB2_8:
0xaf: {  	v19 =	vld [tilespmem:s17+$0x100];
	v5 =	vadd.f32 v17, v5;
	v13 =	vadd.f32 v18, v13;
	v6 =	vperm.xlane v0, v6  }
0xb0: {  	v17 =	vld [tilespmem:s17+$0x110];
	v7 =	vadd.f32 v7, v16;
	v11 =	vadd.f32 v11, v15;
	v8 =	vperm.xlane v0, v8  }
0xb1: {  	v15 =	vld [tilespmem:s17+$0x0];
	v5 =	vadd.f32 v14, v5;
	v6 =	vadd.f32 v6, v13;
	v9 =	vperm.xlane v0, v9  }
0xb2: {  	v14 =	vld [tilespmem:s17+$0x10];
	v4 =	vadd.f32 v4, v7;
	v3 =	vadd.f32 v3, v11;
	v7 =	vperm.xlane v0, v10  }
0xb3: {  	v10 =	vld [tilespmem:s17+$0xFFFFFF00];
	v5 =	vadd.f32 v8, v5;
	v6 =	vadd.f32 v9, v6;
	v8 =	vperm.xlane v0, v12  }
0xb4: {  	v9 =	vld [tilespmem:s17+$0xFFFFFF10];
	v12 =	vadd.f32 v2, v4;
	v20 =	vadd.f32 v1, v3  }
0xb5: {  	v16 =	vld [tilespmem:s17+$0xFFFFFE00];
	v5 =	vadd.f32 v7, v5;
	v13 =	vadd.f32 v8, v6  }
0xb6: {  	v18 =	vld [tilespmem:s17+$0xFFFFFE10]  }
0xb7: {  	v21 =	vld [tilespmem:s17+$0xFFFFFE80]  }
0xb8: {  	s16 =	sadd.s32 $0x8, s16;
	v22 =	vld [tilespmem:s17+$0xFFFFFE90]  }
0xb9: {  	p0 =	slt.u32 s16, $0xC0;
	v2 =	vperm.xlane v0, v19;
	v1 =	vperm.xlane v0, v17;
	v23 =	vld [tilespmem:s17+$0xFFFFFF80]  }
.Ltmp3:
0xba: {  	v4 =	vperm.xlane v0, v15;
	v3 =	vperm.xlane v0, v14;
	v6 =	vld [tilespmem:s17+$0xFFFFFF90];
	(pc) =	sbr.rel @p0 .LBB2_8-.Ltmp3, $4  }
0xbb: {  	v7 =	vperm.xlane v0, v10;
	v11 =	vperm.xlane v0, v9;
	v8 =	vld [tilespmem:s17+$0x80]  }
0xbc: {  	v14 =	vperm.xlane v0, v16;
	v15 =	vperm.xlane v0, v18;
	v9 =	vld [tilespmem:s17+$0x90]  }
0xbd: {  	v17 =	vperm.xlane v0, v21;
	v18 =	vperm.xlane v0, v22;
	v10 =	vld [tilespmem:s17+$0x180]  }
0xbe: {  	v16 =	vadd.f32 v14, v12;
	v15 =	vadd.f32 v15, v20;
	v14 =	vperm.xlane v0, v23;
	v12 =	vld [tilespmem:s17+$0x190];
	s17 =	sadd.s32 $0x1000, s17  }
0xbf: {  	v5 =	vadd.f32 v17, v5  }
0xc0: {  	v13 =	vadd.f32 v18, v13;
	v6 =	vperm.xlane v0, v6  }
0xc1: {  	v7 =	vadd.f32 v7, v16;
	v8 =	vperm.xlane v0, v8;
	v5 =	vadd.f32 v14, v5  }
0xc2: {  	v11 =	vadd.f32 v11, v15;
	v6 =	vadd.f32 v6, v13;
	v9 =	vperm.xlane v0, v9  }
0xc3: {  	v4 =	vadd.f32 v4, v7;
	v7 =	vperm.xlane v0, v10;
	v5 =	vadd.f32 v8, v5  }
0xc4: {  	v3 =	vadd.f32 v3, v11;
	v6 =	vadd.f32 v9, v6;
	v8 =	vperm.xlane v0, v12  }
0xc5: {  	v2 =	vadd.f32 v2, v4;
	v4 =	vadd.f32 v7, v5  }
0xc6: {  	v1 =	vadd.f32 v1, v3;
	v3 =	vadd.f32 v8, v6  }
0xc7: {  	v2 =	vadd.f32 v4, v2  }
0xc8: {  	v1 =	vadd.f32 v3, v1  }
0xc9: {  	[tilespmem:$0x190E0] =	vst v2  }
0xca: {  	s17 =	simm.s32 $0x790;
	[tilespmem:$0x190F0] =	vst v1  }
0xcb: {  	v1 =	vld [tilespmem:s17+$0xFFFFFF70]  }
0xcc: {  	v3 =	vld [tilespmem:s17+$0xFFFFFF80]  }
0xcd: {  	v4 =	vld [tilespmem:s17+$0xFFFFFE70]  }
0xce: {  	v5 =	vld [tilespmem:s17+$0xFFFFFE80]  }
0xcf: {  	v7 =	vld [tilespmem:s17+$0xFFFFFD70]  }
0xd0: {  	v9 =	vld [tilespmem:s17+$0xFFFFFD80]  }
0xd1: {  	v10 =	vld [tilespmem:s17+$0xFFFFFC70]  }
0xd2: {  	v12 =	vld [tilespmem:s17+$0xFFFFFC80]  }
0xd3: {  	v13 =	vld [tilespmem:s17+$0xFFFFFCF0]  }
0xd4: {  	v14 =	vld [tilespmem:s17+$0xFFFFFD00]  }
0xd5: {  	v19 =	vld [tilespmem:s17+$0xFFFFFDF0];
	v2 =	vperm.xlane v0, v1  }
0xd6: {  	v1 =	vperm.xlane v0, v3;
	v4 =	vperm.xlane v0, v4  }
0xd7: {  	v6 =	vld [tilespmem:s17+$0xFFFFFE00];
	v3 =	vperm.xlane v0, v5;
	v7 =	vperm.xlane v0, v7  }
0xd8: {  	v8 =	vld [tilespmem:s17+$0xFFFFFEF0];
	v15 =	vperm.xlane v0, v10;
	v11 =	vperm.xlane v0, v9  }
0xd9: {  	v12 =	vperm.xlane v0, v12;
	v9 =	vld [tilespmem:s17+$0xFFFFFF00];
	v17 =	vperm.xlane v0, v13  }
0xda: {  	v5 =	vimm.f32 $0.0e+00;
	v18 =	vperm.xlane v0, v14;
	v10 =	vld [tilespmem:s17+$0xFFFFFFF0];
	v14 =	vperm.xlane v0, v19  }
0xdb: {  	s16 =	simm.s32 $0x0;
	v13 =	vimm.f32 $0.0e+00;
	v16 =	vadd.f32 v15, v5;
	v15 =	vadd.f32 v12, v5;
	v12 =	vld [tilespmem:s17+$0x0];
	s17 =	simm.s32 $0x1790  }
.LBB2_10:
0xdc: {  	v19 =	vld [tilespmem:s17+$0xFFFFFF70];
	v5 =	vadd.f32 v17, v5;
	v13 =	vadd.f32 v18, v13;
	v6 =	vperm.xlane v0, v6  }
0xdd: {  	v17 =	vld [tilespmem:s17+$0xFFFFFF80];
	v7 =	vadd.f32 v7, v16;
	v11 =	vadd.f32 v11, v15;
	v8 =	vperm.xlane v0, v8  }
0xde: {  	v15 =	vld [tilespmem:s17+$0xFFFFFE70];
	v5 =	vadd.f32 v14, v5;
	v6 =	vadd.f32 v6, v13;
	v9 =	vperm.xlane v0, v9  }
0xdf: {  	v14 =	vld [tilespmem:s17+$0xFFFFFE80];
	v4 =	vadd.f32 v4, v7;
	v3 =	vadd.f32 v3, v11;
	v7 =	vperm.xlane v0, v10  }
0xe0: {  	v10 =	vld [tilespmem:s17+$0xFFFFFD70];
	v5 =	vadd.f32 v8, v5;
	v6 =	vadd.f32 v9, v6;
	v8 =	vperm.xlane v0, v12  }
0xe1: {  	v9 =	vld [tilespmem:s17+$0xFFFFFD80];
	v12 =	vadd.f32 v2, v4;
	v20 =	vadd.f32 v1, v3  }
0xe2: {  	v16 =	vld [tilespmem:s17+$0xFFFFFC70];
	v5 =	vadd.f32 v7, v5;
	v13 =	vadd.f32 v8, v6  }
0xe3: {  	v18 =	vld [tilespmem:s17+$0xFFFFFC80]  }
0xe4: {  	v21 =	vld [tilespmem:s17+$0xFFFFFCF0]  }
0xe5: {  	s16 =	sadd.s32 $0x8, s16;
	v22 =	vld [tilespmem:s17+$0xFFFFFD00]  }
0xe6: {  	p0 =	slt.u32 s16, $0xC0;
	v2 =	vperm.xlane v0, v19;
	v1 =	vperm.xlane v0, v17;
	v23 =	vld [tilespmem:s17+$0xFFFFFDF0]  }
.Ltmp4:
0xe7: {  	v4 =	vperm.xlane v0, v15;
	v3 =	vperm.xlane v0, v14;
	v6 =	vld [tilespmem:s17+$0xFFFFFE00];
	(pc) =	sbr.rel @p0 .LBB2_10-.Ltmp4, $4  }
0xe8: {  	v7 =	vperm.xlane v0, v10;
	v11 =	vperm.xlane v0, v9;
	v8 =	vld [tilespmem:s17+$0xFFFFFEF0]  }
0xe9: {  	v14 =	vperm.xlane v0, v16;
	v15 =	vperm.xlane v0, v18;
	v9 =	vld [tilespmem:s17+$0xFFFFFF00]  }
0xea: {  	v17 =	vperm.xlane v0, v21;
	v18 =	vperm.xlane v0, v22;
	v10 =	vld [tilespmem:s17+$0xFFFFFFF0]  }
0xeb: {  	v16 =	vadd.f32 v14, v12;
	v15 =	vadd.f32 v15, v20;
	v14 =	vperm.xlane v0, v23;
	v12 =	vld [tilespmem:s17+$0x0];
	s17 =	sadd.s32 $0x1000, s17  }
0xec: {  	v5 =	vadd.f32 v17, v5  }
0xed: {  	v13 =	vadd.f32 v18, v13;
	v6 =	vperm.xlane v0, v6  }
0xee: {  	v7 =	vadd.f32 v7, v16;
	v8 =	vperm.xlane v0, v8;
	v5 =	vadd.f32 v14, v5  }
0xef: {  	v11 =	vadd.f32 v11, v15;
	v6 =	vadd.f32 v6, v13;
	v9 =	vperm.xlane v0, v9  }
0xf0: {  	v4 =	vadd.f32 v4, v7;
	v7 =	vperm.xlane v0, v10;
	v5 =	vadd.f32 v8, v5  }
0xf1: {  	v3 =	vadd.f32 v3, v11;
	v6 =	vadd.f32 v9, v6;
	v8 =	vperm.xlane v0, v12  }
0xf2: {  	v2 =	vadd.f32 v2, v4;
	v4 =	vadd.f32 v7, v5  }
0xf3: {  	v1 =	vadd.f32 v1, v3;
	v3 =	vadd.f32 v8, v6  }
0xf4: {  	v2 =	vadd.f32 v4, v2  }
0xf5: {  	v1 =	vadd.f32 v3, v1  }
0xf6: {  	[tilespmem:$0x19100] =	vst v2  }
0xf7: {  	s17 =	simm.s32 $0x7B0;
	[tilespmem:$0x19110] =	vst v1  }
0xf8: {  	v1 =	vld [tilespmem:s17+$0xFFFFFF70]  }
0xf9: {  	v3 =	vld [tilespmem:s17+$0xFFFFFF80]  }
0xfa: {  	v4 =	vld [tilespmem:s17+$0xFFFFFE70]  }
0xfb: {  	v5 =	vld [tilespmem:s17+$0xFFFFFE80]  }
0xfc: {  	v7 =	vld [tilespmem:s17+$0xFFFFFD70]  }
0xfd: {  	v9 =	vld [tilespmem:s17+$0xFFFFFD80]  }
0xfe: {  	v10 =	vld [tilespmem:s17+$0xFFFFFC70]  }
0xff: {  	v12 =	vld [tilespmem:s17+$0xFFFFFC80]  }
0x100: {  	v13 =	vld [tilespmem:s17+$0xFFFFFCF0]  }
0x101: {  	v14 =	vld [tilespmem:s17+$0xFFFFFD00]  }
0x102: {  	v19 =	vld [tilespmem:s17+$0xFFFFFDF0];
	v2 =	vperm.xlane v0, v1  }
0x103: {  	v1 =	vperm.xlane v0, v3;
	v4 =	vperm.xlane v0, v4  }
0x104: {  	v6 =	vld [tilespmem:s17+$0xFFFFFE00];
	v3 =	vperm.xlane v0, v5;
	v7 =	vperm.xlane v0, v7  }
0x105: {  	v8 =	vld [tilespmem:s17+$0xFFFFFEF0];
	v15 =	vperm.xlane v0, v10;
	v11 =	vperm.xlane v0, v9  }
0x106: {  	v12 =	vperm.xlane v0, v12;
	v9 =	vld [tilespmem:s17+$0xFFFFFF00];
	v17 =	vperm.xlane v0, v13  }
0x107: {  	v5 =	vimm.f32 $0.0e+00;
	v18 =	vperm.xlane v0, v14;
	v10 =	vld [tilespmem:s17+$0xFFFFFFF0];
	v14 =	vperm.xlane v0, v19  }
0x108: {  	s16 =	simm.s32 $0x0;
	v13 =	vimm.f32 $0.0e+00;
	v16 =	vadd.f32 v15, v5;
	v15 =	vadd.f32 v12, v5;
	v12 =	vld [tilespmem:s17+$0x0];
	s17 =	simm.s32 $0x17B0  }
.LBB2_12:
0x109: {  	v19 =	vld [tilespmem:s17+$0xFFFFFF70];
	v5 =	vadd.f32 v17, v5;
	v13 =	vadd.f32 v18, v13;
	v6 =	vperm.xlane v0, v6  }
0x10a: {  	v17 =	vld [tilespmem:s17+$0xFFFFFF80];
	v7 =	vadd.f32 v7, v16;
	v11 =	vadd.f32 v11, v15;
	v8 =	vperm.xlane v0, v8  }
0x10b: {  	v15 =	vld [tilespmem:s17+$0xFFFFFE70];
	v5 =	vadd.f32 v14, v5;
	v6 =	vadd.f32 v6, v13;
	v9 =	vperm.xlane v0, v9  }
0x10c: {  	v14 =	vld [tilespmem:s17+$0xFFFFFE80];
	v4 =	vadd.f32 v4, v7;
	v3 =	vadd.f32 v3, v11;
	v7 =	vperm.xlane v0, v10  }
0x10d: {  	v10 =	vld [tilespmem:s17+$0xFFFFFD70];
	v5 =	vadd.f32 v8, v5;
	v6 =	vadd.f32 v9, v6;
	v8 =	vperm.xlane v0, v12  }
0x10e: {  	v9 =	vld [tilespmem:s17+$0xFFFFFD80];
	v12 =	vadd.f32 v2, v4;
	v20 =	vadd.f32 v1, v3  }
0x10f: {  	v16 =	vld [tilespmem:s17+$0xFFFFFC70];
	v5 =	vadd.f32 v7, v5;
	v13 =	vadd.f32 v8, v6  }
0x110: {  	v18 =	vld [tilespmem:s17+$0xFFFFFC80]  }
0x111: {  	v21 =	vld [tilespmem:s17+$0xFFFFFCF0]  }
0x112: {  	s16 =	sadd.s32 $0x8, s16;
	v22 =	vld [tilespmem:s17+$0xFFFFFD00]  }
0x113: {  	p0 =	slt.u32 s16, $0xC0;
	v2 =	vperm.xlane v0, v19;
	v1 =	vperm.xlane v0, v17;
	v23 =	vld [tilespmem:s17+$0xFFFFFDF0]  }
.Ltmp5:
0x114: {  	v4 =	vperm.xlane v0, v15;
	v3 =	vperm.xlane v0, v14;
	v6 =	vld [tilespmem:s17+$0xFFFFFE00];
	(pc) =	sbr.rel @p0 .LBB2_12-.Ltmp5, $4  }
0x115: {  	v7 =	vperm.xlane v0, v10;
	v11 =	vperm.xlane v0, v9;
	v8 =	vld [tilespmem:s17+$0xFFFFFEF0]  }
0x116: {  	v14 =	vperm.xlane v0, v16;
	v15 =	vperm.xlane v0, v18;
	v9 =	vld [tilespmem:s17+$0xFFFFFF00]  }
0x117: {  	v17 =	vperm.xlane v0, v21;
	v18 =	vperm.xlane v0, v22;
	v10 =	vld [tilespmem:s17+$0xFFFFFFF0]  }
0x118: {  	v16 =	vadd.f32 v14, v12;
	v15 =	vadd.f32 v15, v20;
	v14 =	vperm.xlane v0, v23;
	v12 =	vld [tilespmem:s17+$0x0];
	s17 =	sadd.s32 $0x1000, s17  }
0x119: {  	v5 =	vadd.f32 v17, v5  }
0x11a: {  	v13 =	vadd.f32 v18, v13;
	v6 =	vperm.xlane v0, v6  }
0x11b: {  	v7 =	vadd.f32 v7, v16;
	v8 =	vperm.xlane v0, v8;
	v5 =	vadd.f32 v14, v5  }
0x11c: {  	v11 =	vadd.f32 v11, v15;
	v6 =	vadd.f32 v6, v13;
	v9 =	vperm.xlane v0, v9  }
0x11d: {  	v4 =	vadd.f32 v4, v7;
	v7 =	vperm.xlane v0, v10;
	v5 =	vadd.f32 v8, v5  }
0x11e: {  	v3 =	vadd.f32 v3, v11;
	v6 =	vadd.f32 v9, v6;
	v8 =	vperm.xlane v0, v12  }
0x11f: {  	v2 =	vadd.f32 v2, v4;
	v4 =	vadd.f32 v7, v5  }
0x120: {  	v1 =	vadd.f32 v1, v3;
	v3 =	vadd.f32 v8, v6  }
0x121: {  	v2 =	vadd.f32 v4, v2  }
0x122: {  	v1 =	vadd.f32 v3, v1  }
0x123: {  	[tilespmem:$0x19120] =	vst v2  }
0x124: {  	s17 =	simm.s32 $0x7D0;
	[tilespmem:$0x19130] =	vst v1  }
0x125: {  	v1 =	vld [tilespmem:s17+$0xFFFFFF70]  }
0x126: {  	v3 =	vld [tilespmem:s17+$0xFFFFFF80]  }
0x127: {  	v4 =	vld [tilespmem:s17+$0xFFFFFE70]  }
0x128: {  	v5 =	vld [tilespmem:s17+$0xFFFFFE80]  }
0x129: {  	v7 =	vld [tilespmem:s17+$0xFFFFFD70]  }
0x12a: {  	v9 =	vld [tilespmem:s17+$0xFFFFFD80]  }
0x12b: {  	v10 =	vld [tilespmem:s17+$0xFFFFFC70]  }
0x12c: {  	v12 =	vld [tilespmem:s17+$0xFFFFFC80]  }
0x12d: {  	v13 =	vld [tilespmem:s17+$0xFFFFFCF0]  }
0x12e: {  	v14 =	vld [tilespmem:s17+$0xFFFFFD00]  }
0x12f: {  	v19 =	vld [tilespmem:s17+$0xFFFFFDF0];
	v2 =	vperm.xlane v0, v1  }
0x130: {  	v1 =	vperm.xlane v0, v3;
	v4 =	vperm.xlane v0, v4  }
0x131: {  	v6 =	vld [tilespmem:s17+$0xFFFFFE00];
	v3 =	vperm.xlane v0, v5;
	v7 =	vperm.xlane v0, v7  }
0x132: {  	v8 =	vld [tilespmem:s17+$0xFFFFFEF0];
	v15 =	vperm.xlane v0, v10;
	v11 =	vperm.xlane v0, v9  }
0x133: {  	v12 =	vperm.xlane v0, v12;
	v9 =	vld [tilespmem:s17+$0xFFFFFF00];
	v17 =	vperm.xlane v0, v13  }
0x134: {  	v5 =	vimm.f32 $0.0e+00;
	v18 =	vperm.xlane v0, v14;
	v10 =	vld [tilespmem:s17+$0xFFFFFFF0];
	v14 =	vperm.xlane v0, v19  }
0x135: {  	s16 =	simm.s32 $0x0;
	v13 =	vimm.f32 $0.0e+00;
	v16 =	vadd.f32 v15, v5;
	v15 =	vadd.f32 v12, v5;
	v12 =	vld [tilespmem:s17+$0x0];
	s17 =	simm.s32 $0x17D0  }
.LBB2_14:
0x136: {  	v19 =	vld [tilespmem:s17+$0xFFFFFF70];
	v5 =	vadd.f32 v17, v5;
	v13 =	vadd.f32 v18, v13;
	v6 =	vperm.xlane v0, v6  }
0x137: {  	v17 =	vld [tilespmem:s17+$0xFFFFFF80];
	v7 =	vadd.f32 v7, v16;
	v11 =	vadd.f32 v11, v15;
	v8 =	vperm.xlane v0, v8  }
0x138: {  	v15 =	vld [tilespmem:s17+$0xFFFFFE70];
	v5 =	vadd.f32 v14, v5;
	v6 =	vadd.f32 v6, v13;
	v9 =	vperm.xlane v0, v9  }
0x139: {  	v14 =	vld [tilespmem:s17+$0xFFFFFE80];
	v4 =	vadd.f32 v4, v7;
	v3 =	vadd.f32 v3, v11;
	v7 =	vperm.xlane v0, v10  }
0x13a: {  	v10 =	vld [tilespmem:s17+$0xFFFFFD70];
	v5 =	vadd.f32 v8, v5;
	v6 =	vadd.f32 v9, v6;
	v8 =	vperm.xlane v0, v12  }
0x13b: {  	v9 =	vld [tilespmem:s17+$0xFFFFFD80];
	v12 =	vadd.f32 v2, v4;
	v20 =	vadd.f32 v1, v3  }
0x13c: {  	v16 =	vld [tilespmem:s17+$0xFFFFFC70];
	v5 =	vadd.f32 v7, v5;
	v13 =	vadd.f32 v8, v6  }
0x13d: {  	v18 =	vld [tilespmem:s17+$0xFFFFFC80]  }
0x13e: {  	v21 =	vld [tilespmem:s17+$0xFFFFFCF0]  }
0x13f: {  	s16 =	sadd.s32 $0x8, s16;
	v22 =	vld [tilespmem:s17+$0xFFFFFD00]  }
0x140: {  	p0 =	slt.u32 s16, $0xC0;
	v2 =	vperm.xlane v0, v19;
	v1 =	vperm.xlane v0, v17;
	v23 =	vld [tilespmem:s17+$0xFFFFFDF0]  }
.Ltmp6:
0x141: {  	v4 =	vperm.xlane v0, v15;
	v3 =	vperm.xlane v0, v14;
	v6 =	vld [tilespmem:s17+$0xFFFFFE00];
	(pc) =	sbr.rel @p0 .LBB2_14-.Ltmp6, $4  }
0x142: {  	v7 =	vperm.xlane v0, v10;
	v11 =	vperm.xlane v0, v9;
	v8 =	vld [tilespmem:s17+$0xFFFFFEF0]  }
0x143: {  	v14 =	vperm.xlane v0, v16;
	v15 =	vperm.xlane v0, v18;
	v9 =	vld [tilespmem:s17+$0xFFFFFF00]  }
0x144: {  	v17 =	vperm.xlane v0, v21;
	v18 =	vperm.xlane v0, v22;
	v10 =	vld [tilespmem:s17+$0xFFFFFFF0]  }
0x145: {  	v16 =	vadd.f32 v14, v12;
	v15 =	vadd.f32 v15, v20;
	v14 =	vperm.xlane v0, v23;
	v12 =	vld [tilespmem:s17+$0x0];
	s17 =	sadd.s32 $0x1000, s17  }
0x146: {  	v5 =	vadd.f32 v17, v5  }
0x147: {  	v13 =	vadd.f32 v18, v13;
	v6 =	vperm.xlane v0, v6  }
0x148: {  	v7 =	vadd.f32 v7, v16;
	v8 =	vperm.xlane v0, v8;
	v5 =	vadd.f32 v14, v5  }
0x149: {  	v11 =	vadd.f32 v11, v15;
	v6 =	vadd.f32 v6, v13;
	v9 =	vperm.xlane v0, v9  }
0x14a: {  	v4 =	vadd.f32 v4, v7;
	v7 =	vperm.xlane v0, v10;
	v5 =	vadd.f32 v8, v5  }
0x14b: {  	v3 =	vadd.f32 v3, v11;
	v6 =	vadd.f32 v9, v6;
	v8 =	vperm.xlane v0, v12  }
0x14c: {  	v2 =	vadd.f32 v2, v4;
	v4 =	vadd.f32 v7, v5  }
0x14d: {  	v1 =	vadd.f32 v1, v3;
	v3 =	vadd.f32 v8, v6  }
0x14e: {  	v2 =	vadd.f32 v4, v2  }
0x14f: {  	v1 =	vadd.f32 v3, v1  }
0x150: {  	[tilespmem:$0x19140] =	vst v2  }
0x151: {  	s17 =	simm.s32 $0x7F0;
	[tilespmem:$0x19150] =	vst v1  }
0x152: {  	v1 =	vld [tilespmem:s17+$0xFFFFFF70]  }
0x153: {  	v3 =	vld [tilespmem:s17+$0xFFFFFF80]  }
0x154: {  	v4 =	vld [tilespmem:s17+$0xFFFFFE70]  }
0x155: {  	v5 =	vld [tilespmem:s17+$0xFFFFFE80]  }
0x156: {  	v7 =	vld [tilespmem:s17+$0xFFFFFD70]  }
0x157: {  	v9 =	vld [tilespmem:s17+$0xFFFFFD80]  }
0x158: {  	v10 =	vld [tilespmem:s17+$0xFFFFFC70]  }
0x159: {  	v12 =	vld [tilespmem:s17+$0xFFFFFC80]  }
0x15a: {  	v13 =	vld [tilespmem:s17+$0xFFFFFCF0]  }
0x15b: {  	v14 =	vld [tilespmem:s17+$0xFFFFFD00]  }
0x15c: {  	v19 =	vld [tilespmem:s17+$0xFFFFFDF0];
	v2 =	vperm.xlane v0, v1  }
0x15d: {  	v1 =	vperm.xlane v0, v3;
	v4 =	vperm.xlane v0, v4  }
0x15e: {  	v6 =	vld [tilespmem:s17+$0xFFFFFE00];
	v3 =	vperm.xlane v0, v5;
	v7 =	vperm.xlane v0, v7  }
0x15f: {  	v8 =	vld [tilespmem:s17+$0xFFFFFEF0];
	v15 =	vperm.xlane v0, v10;
	v11 =	vperm.xlane v0, v9  }
0x160: {  	v12 =	vperm.xlane v0, v12;
	v9 =	vld [tilespmem:s17+$0xFFFFFF00];
	v17 =	vperm.xlane v0, v13  }
0x161: {  	v5 =	vimm.f32 $0.0e+00;
	v18 =	vperm.xlane v0, v14;
	v10 =	vld [tilespmem:s17+$0xFFFFFFF0];
	v14 =	vperm.xlane v0, v19  }
0x162: {  	s16 =	simm.s32 $0x0;
	v13 =	vimm.f32 $0.0e+00;
	v16 =	vadd.f32 v15, v5;
	v15 =	vadd.f32 v12, v5;
	v12 =	vld [tilespmem:s17+$0x0];
	s17 =	simm.s32 $0x17F0  }
.LBB2_16:
0x163: {  	v19 =	vld [tilespmem:s17+$0xFFFFFF70];
	v5 =	vadd.f32 v17, v5;
	v13 =	vadd.f32 v18, v13;
	v6 =	vperm.xlane v0, v6  }
0x164: {  	v17 =	vld [tilespmem:s17+$0xFFFFFF80];
	v7 =	vadd.f32 v7, v16;
	v11 =	vadd.f32 v11, v15;
	v8 =	vperm.xlane v0, v8  }
0x165: {  	v15 =	vld [tilespmem:s17+$0xFFFFFE70];
	v5 =	vadd.f32 v14, v5;
	v6 =	vadd.f32 v6, v13;
	v9 =	vperm.xlane v0, v9  }
0x166: {  	v14 =	vld [tilespmem:s17+$0xFFFFFE80];
	v4 =	vadd.f32 v4, v7;
	v3 =	vadd.f32 v3, v11;
	v7 =	vperm.xlane v0, v10  }
0x167: {  	v10 =	vld [tilespmem:s17+$0xFFFFFD70];
	v5 =	vadd.f32 v8, v5;
	v6 =	vadd.f32 v9, v6;
	v8 =	vperm.xlane v0, v12  }
0x168: {  	v9 =	vld [tilespmem:s17+$0xFFFFFD80];
	v12 =	vadd.f32 v2, v4;
	v20 =	vadd.f32 v1, v3  }
0x169: {  	v16 =	vld [tilespmem:s17+$0xFFFFFC70];
	v5 =	vadd.f32 v7, v5;
	v13 =	vadd.f32 v8, v6  }
0x16a: {  	v18 =	vld [tilespmem:s17+$0xFFFFFC80]  }
0x16b: {  	v21 =	vld [tilespmem:s17+$0xFFFFFCF0]  }
0x16c: {  	s16 =	sadd.s32 $0x8, s16;
	v22 =	vld [tilespmem:s17+$0xFFFFFD00]  }
0x16d: {  	p0 =	slt.u32 s16, $0xC0;
	v2 =	vperm.xlane v0, v19;
	v1 =	vperm.xlane v0, v17;
	v23 =	vld [tilespmem:s17+$0xFFFFFDF0]  }
.Ltmp7:
0x16e: {  	v4 =	vperm.xlane v0, v15;
	v3 =	vperm.xlane v0, v14;
	v6 =	vld [tilespmem:s17+$0xFFFFFE00];
	(pc) =	sbr.rel @p0 .LBB2_16-.Ltmp7, $4  }
0x16f: {  	v7 =	vperm.xlane v0, v10;
	v11 =	vperm.xlane v0, v9;
	v8 =	vld [tilespmem:s17+$0xFFFFFEF0]  }
0x170: {  	v14 =	vperm.xlane v0, v16;
	v15 =	vperm.xlane v0, v18;
	v9 =	vld [tilespmem:s17+$0xFFFFFF00]  }
0x171: {  	v17 =	vperm.xlane v0, v21;
	v18 =	vperm.xlane v0, v22;
	v10 =	vld [tilespmem:s17+$0xFFFFFFF0]  }
0x172: {  	v16 =	vadd.f32 v14, v12;
	v15 =	vadd.f32 v15, v20;
	v14 =	vperm.xlane v0, v23;
	v12 =	vld [tilespmem:s17+$0x0];
	s17 =	sadd.s32 $0x1000, s17  }
0x173: {  	v5 =	vadd.f32 v17, v5  }
0x174: {  	v13 =	vadd.f32 v18, v13;
	v6 =	vperm.xlane v0, v6  }
0x175: {  	v7 =	vadd.f32 v7, v16;
	v8 =	vperm.xlane v0, v8;
	v5 =	vadd.f32 v14, v5  }
0x176: {  	v11 =	vadd.f32 v11, v15;
	v6 =	vadd.f32 v6, v13;
	v9 =	vperm.xlane v0, v9  }
0x177: {  	v4 =	vadd.f32 v4, v7;
	v7 =	vperm.xlane v0, v10;
	v5 =	vadd.f32 v8, v5  }
0x178: {  	v3 =	vadd.f32 v3, v11;
	v6 =	vadd.f32 v9, v6;
	v8 =	vperm.xlane v0, v12  }
0x179: {  	v2 =	vadd.f32 v2, v4;
	v4 =	vadd.f32 v7, v5  }
0x17a: {  	v1 =	vadd.f32 v1, v3;
	v3 =	vadd.f32 v8, v6  }
0x17b: {  	v2 =	vadd.f32 v4, v2  }
0x17c: {  	v1 =	vadd.f32 v3, v1  }
0x17d: {  	[tilespmem:$0x19160] =	vst v2  }
0x17e: {  	s17 =	simm.s32 $0xB90;
	[tilespmem:$0x19170] =	vst v1  }
0x17f: {  	v1 =	vld [tilespmem:s17+$0xFFFFFF70]  }
0x180: {  	v3 =	vld [tilespmem:s17+$0xFFFFFF80]  }
0x181: {  	v4 =	vld [tilespmem:s17+$0xFFFFFE70]  }
0x182: {  	v5 =	vld [tilespmem:s17+$0xFFFFFE80]  }
0x183: {  	v7 =	vld [tilespmem:s17+$0xFFFFFD70]  }
0x184: {  	v9 =	vld [tilespmem:s17+$0xFFFFFD80]  }
0x185: {  	v10 =	vld [tilespmem:s17+$0xFFFFFC70]  }
0x186: {  	v12 =	vld [tilespmem:s17+$0xFFFFFC80]  }
0x187: {  	v13 =	vld [tilespmem:s17+$0xFFFFFCF0]  }
0x188: {  	v14 =	vld [tilespmem:s17+$0xFFFFFD00]  }
0x189: {  	v19 =	vld [tilespmem:s17+$0xFFFFFDF0];
	v2 =	vperm.xlane v0, v1  }
0x18a: {  	v1 =	vperm.xlane v0, v3;
	v4 =	vperm.xlane v0, v4  }
0x18b: {  	v6 =	vld [tilespmem:s17+$0xFFFFFE00];
	v3 =	vperm.xlane v0, v5;
	v7 =	vperm.xlane v0, v7  }
0x18c: {  	v8 =	vld [tilespmem:s17+$0xFFFFFEF0];
	v15 =	vperm.xlane v0, v10;
	v11 =	vperm.xlane v0, v9  }
0x18d: {  	v12 =	vperm.xlane v0, v12;
	v9 =	vld [tilespmem:s17+$0xFFFFFF00];
	v17 =	vperm.xlane v0, v13  }
0x18e: {  	v5 =	vimm.f32 $0.0e+00;
	v18 =	vperm.xlane v0, v14;
	v10 =	vld [tilespmem:s17+$0xFFFFFFF0];
	v14 =	vperm.xlane v0, v19  }
0x18f: {  	s16 =	simm.s32 $0x0;
	v13 =	vimm.f32 $0.0e+00;
	v16 =	vadd.f32 v15, v5;
	v15 =	vadd.f32 v12, v5;
	v12 =	vld [tilespmem:s17+$0x0];
	s17 =	simm.s32 $0x1B90  }
.LBB2_18:
0x190: {  	v19 =	vld [tilespmem:s17+$0xFFFFFF70];
	v5 =	vadd.f32 v17, v5;
	v13 =	vadd.f32 v18, v13;
	v6 =	vperm.xlane v0, v6  }
0x191: {  	v17 =	vld [tilespmem:s17+$0xFFFFFF80];
	v7 =	vadd.f32 v7, v16;
	v11 =	vadd.f32 v11, v15;
	v8 =	vperm.xlane v0, v8  }
0x192: {  	v15 =	vld [tilespmem:s17+$0xFFFFFE70];
	v5 =	vadd.f32 v14, v5;
	v6 =	vadd.f32 v6, v13;
	v9 =	vperm.xlane v0, v9  }
0x193: {  	v14 =	vld [tilespmem:s17+$0xFFFFFE80];
	v4 =	vadd.f32 v4, v7;
	v3 =	vadd.f32 v3, v11;
	v7 =	vperm.xlane v0, v10  }
0x194: {  	v10 =	vld [tilespmem:s17+$0xFFFFFD70];
	v5 =	vadd.f32 v8, v5;
	v6 =	vadd.f32 v9, v6;
	v8 =	vperm.xlane v0, v12  }
0x195: {  	v9 =	vld [tilespmem:s17+$0xFFFFFD80];
	v12 =	vadd.f32 v2, v4;
	v20 =	vadd.f32 v1, v3  }
0x196: {  	v16 =	vld [tilespmem:s17+$0xFFFFFC70];
	v5 =	vadd.f32 v7, v5;
	v13 =	vadd.f32 v8, v6  }
0x197: {  	v18 =	vld [tilespmem:s17+$0xFFFFFC80]  }
0x198: {  	v21 =	vld [tilespmem:s17+$0xFFFFFCF0]  }
0x199: {  	s16 =	sadd.s32 $0x8, s16;
	v22 =	vld [tilespmem:s17+$0xFFFFFD00]  }
0x19a: {  	p0 =	slt.u32 s16, $0xC0;
	v2 =	vperm.xlane v0, v19;
	v1 =	vperm.xlane v0, v17;
	v23 =	vld [tilespmem:s17+$0xFFFFFDF0]  }
.Ltmp8:
0x19b: {  	v4 =	vperm.xlane v0, v15;
	v3 =	vperm.xlane v0, v14;
	v6 =	vld [tilespmem:s17+$0xFFFFFE00];
	(pc) =	sbr.rel @p0 .LBB2_18-.Ltmp8, $4  }
0x19c: {  	v7 =	vperm.xlane v0, v10;
	v11 =	vperm.xlane v0, v9;
	v8 =	vld [tilespmem:s17+$0xFFFFFEF0]  }
0x19d: {  	v14 =	vperm.xlane v0, v16;
	v15 =	vperm.xlane v0, v18;
	v9 =	vld [tilespmem:s17+$0xFFFFFF00]  }
0x19e: {  	v17 =	vperm.xlane v0, v21;
	v18 =	vperm.xlane v0, v22;
	v10 =	vld [tilespmem:s17+$0xFFFFFFF0]  }
0x19f: {  	v16 =	vadd.f32 v14, v12;
	v15 =	vadd.f32 v15, v20;
	v14 =	vperm.xlane v0, v23;
	v12 =	vld [tilespmem:s17+$0x0];
	s17 =	sadd.s32 $0x1000, s17  }
0x1a0: {  	v5 =	vadd.f32 v17, v5  }
0x1a1: {  	v13 =	vadd.f32 v18, v13;
	v6 =	vperm.xlane v0, v6  }
0x1a2: {  	v7 =	vadd.f32 v7, v16;
	v8 =	vperm.xlane v0, v8;
	v5 =	vadd.f32 v14, v5  }
0x1a3: {  	v11 =	vadd.f32 v11, v15;
	v6 =	vadd.f32 v6, v13;
	v9 =	vperm.xlane v0, v9  }
0x1a4: {  	v4 =	vadd.f32 v4, v7;
	v7 =	vperm.xlane v0, v10;
	v5 =	vadd.f32 v8, v5  }
0x1a5: {  	v3 =	vadd.f32 v3, v11;
	v6 =	vadd.f32 v9, v6;
	v8 =	vperm.xlane v0, v12  }
0x1a6: {  	v2 =	vadd.f32 v2, v4;
	v4 =	vadd.f32 v7, v5  }
0x1a7: {  	v1 =	vadd.f32 v1, v3;
	v3 =	vadd.f32 v8, v6  }
0x1a8: {  	v2 =	vadd.f32 v4, v2  }
0x1a9: {  	v1 =	vadd.f32 v3, v1  }
0x1aa: {  	[tilespmem:$0x19180] =	vst v2  }
0x1ab: {  	s17 =	simm.s32 $0xBB0;
	[tilespmem:$0x19190] =	vst v1  }
0x1ac: {  	v1 =	vld [tilespmem:s17+$0xFFFFFF70]  }
0x1ad: {  	v3 =	vld [tilespmem:s17+$0xFFFFFF80]  }
0x1ae: {  	v4 =	vld [tilespmem:s17+$0xFFFFFE70]  }
0x1af: {  	v5 =	vld [tilespmem:s17+$0xFFFFFE80]  }
0x1b0: {  	v7 =	vld [tilespmem:s17+$0xFFFFFD70]  }
0x1b1: {  	v9 =	vld [tilespmem:s17+$0xFFFFFD80]  }
0x1b2: {  	v10 =	vld [tilespmem:s17+$0xFFFFFC70]  }
0x1b3: {  	v12 =	vld [tilespmem:s17+$0xFFFFFC80]  }
0x1b4: {  	v13 =	vld [tilespmem:s17+$0xFFFFFCF0]  }
0x1b5: {  	v14 =	vld [tilespmem:s17+$0xFFFFFD00]  }
0x1b6: {  	v19 =	vld [tilespmem:s17+$0xFFFFFDF0];
	v2 =	vperm.xlane v0, v1  }
0x1b7: {  	v1 =	vperm.xlane v0, v3;
	v4 =	vperm.xlane v0, v4  }
0x1b8: {  	v6 =	vld [tilespmem:s17+$0xFFFFFE00];
	v3 =	vperm.xlane v0, v5;
	v7 =	vperm.xlane v0, v7  }
0x1b9: {  	v8 =	vld [tilespmem:s17+$0xFFFFFEF0];
	v15 =	vperm.xlane v0, v10;
	v11 =	vperm.xlane v0, v9  }
0x1ba: {  	v12 =	vperm.xlane v0, v12;
	v9 =	vld [tilespmem:s17+$0xFFFFFF00];
	v17 =	vperm.xlane v0, v13  }
0x1bb: {  	v5 =	vimm.f32 $0.0e+00;
	v18 =	vperm.xlane v0, v14;
	v10 =	vld [tilespmem:s17+$0xFFFFFFF0];
	v14 =	vperm.xlane v0, v19  }
0x1bc: {  	s16 =	simm.s32 $0x0;
	v13 =	vimm.f32 $0.0e+00;
	v16 =	vadd.f32 v15, v5;
	v15 =	vadd.f32 v12, v5;
	v12 =	vld [tilespmem:s17+$0x0];
	s17 =	simm.s32 $0x1BB0  }
.LBB2_20:
0x1bd: {  	v19 =	vld [tilespmem:s17+$0xFFFFFF70];
	v5 =	vadd.f32 v17, v5;
	v13 =	vadd.f32 v18, v13;
	v6 =	vperm.xlane v0, v6  }
0x1be: {  	v17 =	vld [tilespmem:s17+$0xFFFFFF80];
	v7 =	vadd.f32 v7, v16;
	v11 =	vadd.f32 v11, v15;
	v8 =	vperm.xlane v0, v8  }
0x1bf: {  	v15 =	vld [tilespmem:s17+$0xFFFFFE70];
	v5 =	vadd.f32 v14, v5;
	v6 =	vadd.f32 v6, v13;
	v9 =	vperm.xlane v0, v9  }
0x1c0: {  	v14 =	vld [tilespmem:s17+$0xFFFFFE80];
	v4 =	vadd.f32 v4, v7;
	v3 =	vadd.f32 v3, v11;
	v7 =	vperm.xlane v0, v10  }
0x1c1: {  	v10 =	vld [tilespmem:s17+$0xFFFFFD70];
	v5 =	vadd.f32 v8, v5;
	v6 =	vadd.f32 v9, v6;
	v8 =	vperm.xlane v0, v12  }
0x1c2: {  	v9 =	vld [tilespmem:s17+$0xFFFFFD80];
	v12 =	vadd.f32 v2, v4;
	v20 =	vadd.f32 v1, v3  }
0x1c3: {  	v16 =	vld [tilespmem:s17+$0xFFFFFC70];
	v5 =	vadd.f32 v7, v5;
	v13 =	vadd.f32 v8, v6  }
0x1c4: {  	v18 =	vld [tilespmem:s17+$0xFFFFFC80]  }
0x1c5: {  	v21 =	vld [tilespmem:s17+$0xFFFFFCF0]  }
0x1c6: {  	s16 =	sadd.s32 $0x8, s16;
	v22 =	vld [tilespmem:s17+$0xFFFFFD00]  }
0x1c7: {  	p0 =	slt.u32 s16, $0xC0;
	v2 =	vperm.xlane v0, v19;
	v1 =	vperm.xlane v0, v17;
	v23 =	vld [tilespmem:s17+$0xFFFFFDF0]  }
.Ltmp9:
0x1c8: {  	v4 =	vperm.xlane v0, v15;
	v3 =	vperm.xlane v0, v14;
	v6 =	vld [tilespmem:s17+$0xFFFFFE00];
	(pc) =	sbr.rel @p0 .LBB2_20-.Ltmp9, $4  }
0x1c9: {  	v7 =	vperm.xlane v0, v10;
	v11 =	vperm.xlane v0, v9;
	v8 =	vld [tilespmem:s17+$0xFFFFFEF0]  }
0x1ca: {  	v14 =	vperm.xlane v0, v16;
	v15 =	vperm.xlane v0, v18;
	v9 =	vld [tilespmem:s17+$0xFFFFFF00]  }
0x1cb: {  	v17 =	vperm.xlane v0, v21;
	v18 =	vperm.xlane v0, v22;
	v10 =	vld [tilespmem:s17+$0xFFFFFFF0]  }
0x1cc: {  	v16 =	vadd.f32 v14, v12;
	v15 =	vadd.f32 v15, v20;
	v14 =	vperm.xlane v0, v23;
	v12 =	vld [tilespmem:s17+$0x0];
	s17 =	sadd.s32 $0x1000, s17  }
0x1cd: {  	v5 =	vadd.f32 v17, v5  }
0x1ce: {  	v13 =	vadd.f32 v18, v13;
	v6 =	vperm.xlane v0, v6  }
0x1cf: {  	v7 =	vadd.f32 v7, v16;
	v8 =	vperm.xlane v0, v8;
	v5 =	vadd.f32 v14, v5  }
0x1d0: {  	v11 =	vadd.f32 v11, v15;
	v6 =	vadd.f32 v6, v13;
	v9 =	vperm.xlane v0, v9  }
0x1d1: {  	v4 =	vadd.f32 v4, v7;
	v7 =	vperm.xlane v0, v10;
	v5 =	vadd.f32 v8, v5  }
0x1d2: {  	v3 =	vadd.f32 v3, v11;
	v6 =	vadd.f32 v9, v6;
	v8 =	vperm.xlane v0, v12  }
0x1d3: {  	v2 =	vadd.f32 v2, v4;
	v4 =	vadd.f32 v7, v5  }
0x1d4: {  	v1 =	vadd.f32 v1, v3;
	v3 =	vadd.f32 v8, v6  }
0x1d5: {  	v2 =	vadd.f32 v4, v2  }
0x1d6: {  	v1 =	vadd.f32 v3, v1  }
0x1d7: {  	[tilespmem:$0x191A0] =	vst v2  }
0x1d8: {  	s17 =	simm.s32 $0xBD0;
	[tilespmem:$0x191B0] =	vst v1  }
0x1d9: {  	v1 =	vld [tilespmem:s17+$0xFFFFFF70]  }
0x1da: {  	v3 =	vld [tilespmem:s17+$0xFFFFFF80]  }
0x1db: {  	v4 =	vld [tilespmem:s17+$0xFFFFFE70]  }
0x1dc: {  	v5 =	vld [tilespmem:s17+$0xFFFFFE80]  }
0x1dd: {  	v7 =	vld [tilespmem:s17+$0xFFFFFD70]  }
0x1de: {  	v9 =	vld [tilespmem:s17+$0xFFFFFD80]  }
0x1df: {  	v10 =	vld [tilespmem:s17+$0xFFFFFC70]  }
0x1e0: {  	v12 =	vld [tilespmem:s17+$0xFFFFFC80]  }
0x1e1: {  	v13 =	vld [tilespmem:s17+$0xFFFFFCF0]  }
0x1e2: {  	v14 =	vld [tilespmem:s17+$0xFFFFFD00]  }
0x1e3: {  	v19 =	vld [tilespmem:s17+$0xFFFFFDF0];
	v2 =	vperm.xlane v0, v1  }
0x1e4: {  	v1 =	vperm.xlane v0, v3;
	v4 =	vperm.xlane v0, v4  }
0x1e5: {  	v6 =	vld [tilespmem:s17+$0xFFFFFE00];
	v3 =	vperm.xlane v0, v5;
	v7 =	vperm.xlane v0, v7  }
0x1e6: {  	v8 =	vld [tilespmem:s17+$0xFFFFFEF0];
	v15 =	vperm.xlane v0, v10;
	v11 =	vperm.xlane v0, v9  }
0x1e7: {  	v12 =	vperm.xlane v0, v12;
	v9 =	vld [tilespmem:s17+$0xFFFFFF00];
	v17 =	vperm.xlane v0, v13  }
0x1e8: {  	v5 =	vimm.f32 $0.0e+00;
	v18 =	vperm.xlane v0, v14;
	v10 =	vld [tilespmem:s17+$0xFFFFFFF0];
	v14 =	vperm.xlane v0, v19  }
0x1e9: {  	s16 =	simm.s32 $0x0;
	v13 =	vimm.f32 $0.0e+00;
	v16 =	vadd.f32 v15, v5;
	v15 =	vadd.f32 v12, v5;
	v12 =	vld [tilespmem:s17+$0x0];
	s17 =	simm.s32 $0x1BD0  }
.LBB2_22:
0x1ea: {  	v19 =	vld [tilespmem:s17+$0xFFFFFF70];
	v5 =	vadd.f32 v17, v5;
	v13 =	vadd.f32 v18, v13;
	v6 =	vperm.xlane v0, v6  }
0x1eb: {  	v17 =	vld [tilespmem:s17+$0xFFFFFF80];
	v7 =	vadd.f32 v7, v16;
	v11 =	vadd.f32 v11, v15;
	v8 =	vperm.xlane v0, v8  }
0x1ec: {  	v15 =	vld [tilespmem:s17+$0xFFFFFE70];
	v5 =	vadd.f32 v14, v5;
	v6 =	vadd.f32 v6, v13;
	v9 =	vperm.xlane v0, v9  }
0x1ed: {  	v14 =	vld [tilespmem:s17+$0xFFFFFE80];
	v4 =	vadd.f32 v4, v7;
	v3 =	vadd.f32 v3, v11;
	v7 =	vperm.xlane v0, v10  }
0x1ee: {  	v10 =	vld [tilespmem:s17+$0xFFFFFD70];
	v5 =	vadd.f32 v8, v5;
	v6 =	vadd.f32 v9, v6;
	v8 =	vperm.xlane v0, v12  }
0x1ef: {  	v9 =	vld [tilespmem:s17+$0xFFFFFD80];
	v12 =	vadd.f32 v2, v4;
	v20 =	vadd.f32 v1, v3  }
0x1f0: {  	v16 =	vld [tilespmem:s17+$0xFFFFFC70];
	v5 =	vadd.f32 v7, v5;
	v13 =	vadd.f32 v8, v6  }
0x1f1: {  	v18 =	vld [tilespmem:s17+$0xFFFFFC80]  }
0x1f2: {  	v21 =	vld [tilespmem:s17+$0xFFFFFCF0]  }
0x1f3: {  	s16 =	sadd.s32 $0x8, s16;
	v22 =	vld [tilespmem:s17+$0xFFFFFD00]  }
0x1f4: {  	p0 =	slt.u32 s16, $0xC0;
	v2 =	vperm.xlane v0, v19;
	v1 =	vperm.xlane v0, v17;
	v23 =	vld [tilespmem:s17+$0xFFFFFDF0]  }
.Ltmp10:
0x1f5: {  	v4 =	vperm.xlane v0, v15;
	v3 =	vperm.xlane v0, v14;
	v6 =	vld [tilespmem:s17+$0xFFFFFE00];
	(pc) =	sbr.rel @p0 .LBB2_22-.Ltmp10, $4  }
0x1f6: {  	v7 =	vperm.xlane v0, v10;
	v11 =	vperm.xlane v0, v9;
	v8 =	vld [tilespmem:s17+$0xFFFFFEF0]  }
0x1f7: {  	v14 =	vperm.xlane v0, v16;
	v15 =	vperm.xlane v0, v18;
	v9 =	vld [tilespmem:s17+$0xFFFFFF00]  }
0x1f8: {  	v17 =	vperm.xlane v0, v21;
	v18 =	vperm.xlane v0, v22;
	v10 =	vld [tilespmem:s17+$0xFFFFFFF0]  }
0x1f9: {  	v16 =	vadd.f32 v14, v12;
	v15 =	vadd.f32 v15, v20;
	v14 =	vperm.xlane v0, v23;
	v12 =	vld [tilespmem:s17+$0x0];
	s17 =	sadd.s32 $0x1000, s17  }
0x1fa: {  	v5 =	vadd.f32 v17, v5  }
0x1fb: {  	v13 =	vadd.f32 v18, v13;
	v6 =	vperm.xlane v0, v6  }
0x1fc: {  	v7 =	vadd.f32 v7, v16;
	v8 =	vperm.xlane v0, v8;
	v5 =	vadd.f32 v14, v5  }
0x1fd: {  	v11 =	vadd.f32 v11, v15;
	v6 =	vadd.f32 v6, v13;
	v9 =	vperm.xlane v0, v9  }
0x1fe: {  	v4 =	vadd.f32 v4, v7;
	v7 =	vperm.xlane v0, v10;
	v5 =	vadd.f32 v8, v5  }
0x1ff: {  	v3 =	vadd.f32 v3, v11;
	v6 =	vadd.f32 v9, v6;
	v8 =	vperm.xlane v0, v12  }
0x200: {  	v2 =	vadd.f32 v2, v4;
	v4 =	vadd.f32 v7, v5  }
0x201: {  	v1 =	vadd.f32 v1, v3;
	v3 =	vadd.f32 v8, v6  }
0x202: {  	v2 =	vadd.f32 v4, v2  }
0x203: {  	v1 =	vadd.f32 v3, v1  }
0x204: {  	[tilespmem:$0x191C0] =	vst v2  }
0x205: {  	s17 =	simm.s32 $0xBF0;
	[tilespmem:$0x191D0] =	vst v1  }
0x206: {  	v1 =	vld [tilespmem:s17+$0xFFFFFF70]  }
0x207: {  	v3 =	vld [tilespmem:s17+$0xFFFFFF80]  }
0x208: {  	v4 =	vld [tilespmem:s17+$0xFFFFFE70]  }
0x209: {  	v5 =	vld [tilespmem:s17+$0xFFFFFE80]  }
0x20a: {  	v7 =	vld [tilespmem:s17+$0xFFFFFD70]  }
0x20b: {  	v9 =	vld [tilespmem:s17+$0xFFFFFD80]  }
0x20c: {  	v10 =	vld [tilespmem:s17+$0xFFFFFC70]  }
0x20d: {  	v12 =	vld [tilespmem:s17+$0xFFFFFC80]  }
0x20e: {  	v13 =	vld [tilespmem:s17+$0xFFFFFCF0]  }
0x20f: {  	v14 =	vld [tilespmem:s17+$0xFFFFFD00]  }
0x210: {  	v19 =	vld [tilespmem:s17+$0xFFFFFDF0];
	v2 =	vperm.xlane v0, v1  }
0x211: {  	v1 =	vperm.xlane v0, v3;
	v4 =	vperm.xlane v0, v4  }
0x212: {  	v6 =	vld [tilespmem:s17+$0xFFFFFE00];
	v3 =	vperm.xlane v0, v5;
	v7 =	vperm.xlane v0, v7  }
0x213: {  	v8 =	vld [tilespmem:s17+$0xFFFFFEF0];
	v15 =	vperm.xlane v0, v10;
	v11 =	vperm.xlane v0, v9  }
0x214: {  	v12 =	vperm.xlane v0, v12;
	v9 =	vld [tilespmem:s17+$0xFFFFFF00];
	v17 =	vperm.xlane v0, v13  }
0x215: {  	v5 =	vimm.f32 $0.0e+00;
	v18 =	vperm.xlane v0, v14;
	v10 =	vld [tilespmem:s17+$0xFFFFFFF0];
	v14 =	vperm.xlane v0, v19  }
0x216: {  	s16 =	simm.s32 $0x0;
	v13 =	vimm.f32 $0.0e+00;
	v16 =	vadd.f32 v15, v5;
	v15 =	vadd.f32 v12, v5;
	v12 =	vld [tilespmem:s17+$0x0];
	s17 =	simm.s32 $0x1BF0  }
.LBB2_24:
0x217: {  	v19 =	vld [tilespmem:s17+$0xFFFFFF70];
	v5 =	vadd.f32 v17, v5;
	v13 =	vadd.f32 v18, v13;
	v6 =	vperm.xlane v0, v6  }
0x218: {  	v17 =	vld [tilespmem:s17+$0xFFFFFF80];
	v7 =	vadd.f32 v7, v16;
	v11 =	vadd.f32 v11, v15;
	v8 =	vperm.xlane v0, v8  }
0x219: {  	v15 =	vld [tilespmem:s17+$0xFFFFFE70];
	v5 =	vadd.f32 v14, v5;
	v6 =	vadd.f32 v6, v13;
	v9 =	vperm.xlane v0, v9  }
0x21a: {  	v14 =	vld [tilespmem:s17+$0xFFFFFE80];
	v4 =	vadd.f32 v4, v7;
	v3 =	vadd.f32 v3, v11;
	v7 =	vperm.xlane v0, v10  }
0x21b: {  	v10 =	vld [tilespmem:s17+$0xFFFFFD70];
	v5 =	vadd.f32 v8, v5;
	v6 =	vadd.f32 v9, v6;
	v8 =	vperm.xlane v0, v12  }
0x21c: {  	v9 =	vld [tilespmem:s17+$0xFFFFFD80];
	v12 =	vadd.f32 v2, v4;
	v20 =	vadd.f32 v1, v3  }
0x21d: {  	v16 =	vld [tilespmem:s17+$0xFFFFFC70];
	v5 =	vadd.f32 v7, v5;
	v13 =	vadd.f32 v8, v6  }
0x21e: {  	v18 =	vld [tilespmem:s17+$0xFFFFFC80]  }
0x21f: {  	v21 =	vld [tilespmem:s17+$0xFFFFFCF0]  }
0x220: {  	s16 =	sadd.s32 $0x8, s16;
	v22 =	vld [tilespmem:s17+$0xFFFFFD00]  }
0x221: {  	p0 =	slt.u32 s16, $0xC0;
	v2 =	vperm.xlane v0, v19;
	v1 =	vperm.xlane v0, v17;
	v23 =	vld [tilespmem:s17+$0xFFFFFDF0]  }
.Ltmp11:
0x222: {  	v4 =	vperm.xlane v0, v15;
	v3 =	vperm.xlane v0, v14;
	v6 =	vld [tilespmem:s17+$0xFFFFFE00];
	(pc) =	sbr.rel @p0 .LBB2_24-.Ltmp11, $4  }
0x223: {  	v7 =	vperm.xlane v0, v10;
	v11 =	vperm.xlane v0, v9;
	v8 =	vld [tilespmem:s17+$0xFFFFFEF0]  }
0x224: {  	v14 =	vperm.xlane v0, v16;
	v15 =	vperm.xlane v0, v18;
	v9 =	vld [tilespmem:s17+$0xFFFFFF00]  }
0x225: {  	v17 =	vperm.xlane v0, v21;
	v18 =	vperm.xlane v0, v22;
	v10 =	vld [tilespmem:s17+$0xFFFFFFF0]  }
0x226: {  	v16 =	vadd.f32 v14, v12;
	v15 =	vadd.f32 v15, v20;
	v14 =	vperm.xlane v0, v23;
	v12 =	vld [tilespmem:s17+$0x0];
	s17 =	sadd.s32 $0x1000, s17  }
0x227: {  	v5 =	vadd.f32 v17, v5  }
0x228: {  	v13 =	vadd.f32 v18, v13;
	v6 =	vperm.xlane v0, v6  }
0x229: {  	v7 =	vadd.f32 v7, v16;
	v8 =	vperm.xlane v0, v8;
	v5 =	vadd.f32 v14, v5  }
0x22a: {  	v11 =	vadd.f32 v11, v15;
	v6 =	vadd.f32 v6, v13;
	v9 =	vperm.xlane v0, v9  }
0x22b: {  	v4 =	vadd.f32 v4, v7;
	v7 =	vperm.xlane v0, v10;
	v5 =	vadd.f32 v8, v5  }
0x22c: {  	v3 =	vadd.f32 v3, v11;
	v6 =	vadd.f32 v9, v6;
	v8 =	vperm.xlane v0, v12  }
0x22d: {  	v2 =	vadd.f32 v2, v4;
	v4 =	vadd.f32 v7, v5  }
0x22e: {  	v1 =	vadd.f32 v1, v3;
	v3 =	vadd.f32 v8, v6  }
0x22f: {  	v2 =	vadd.f32 v4, v2  }
0x230: {  	v1 =	vadd.f32 v3, v1  }
0x231: {  	[tilespmem:$0x191E0] =	vst v2  }
0x232: {  	s17 =	simm.s32 $0xF90;
	[tilespmem:$0x191F0] =	vst v1  }
0x233: {  	v1 =	vld [tilespmem:s17+$0xFFFFFF70]  }
0x234: {  	v3 =	vld [tilespmem:s17+$0xFFFFFF80]  }
0x235: {  	v4 =	vld [tilespmem:s17+$0xFFFFFE70]  }
0x236: {  	v5 =	vld [tilespmem:s17+$0xFFFFFE80]  }
0x237: {  	v7 =	vld [tilespmem:s17+$0xFFFFFD70]  }
0x238: {  	v9 =	vld [tilespmem:s17+$0xFFFFFD80]  }
0x239: {  	v10 =	vld [tilespmem:s17+$0xFFFFFC70]  }
0x23a: {  	v12 =	vld [tilespmem:s17+$0xFFFFFC80]  }
0x23b: {  	v13 =	vld [tilespmem:s17+$0xFFFFFCF0]  }
0x23c: {  	v14 =	vld [tilespmem:s17+$0xFFFFFD00]  }
0x23d: {  	v19 =	vld [tilespmem:s17+$0xFFFFFDF0];
	v2 =	vperm.xlane v0, v1  }
0x23e: {  	v1 =	vperm.xlane v0, v3;
	v4 =	vperm.xlane v0, v4  }
0x23f: {  	v6 =	vld [tilespmem:s17+$0xFFFFFE00];
	v3 =	vperm.xlane v0, v5;
	v7 =	vperm.xlane v0, v7  }
0x240: {  	v8 =	vld [tilespmem:s17+$0xFFFFFEF0];
	v15 =	vperm.xlane v0, v10;
	v11 =	vperm.xlane v0, v9  }
0x241: {  	v12 =	vperm.xlane v0, v12;
	v9 =	vld [tilespmem:s17+$0xFFFFFF00];
	v17 =	vperm.xlane v0, v13  }
0x242: {  	v5 =	vimm.f32 $0.0e+00;
	v18 =	vperm.xlane v0, v14;
	v10 =	vld [tilespmem:s17+$0xFFFFFFF0];
	v14 =	vperm.xlane v0, v19  }
0x243: {  	s16 =	simm.s32 $0x0;
	v13 =	vimm.f32 $0.0e+00;
	v16 =	vadd.f32 v15, v5;
	v15 =	vadd.f32 v12, v5;
	v12 =	vld [tilespmem:s17+$0x0];
	s17 =	simm.s32 $0x1F90  }
.LBB2_26:
0x244: {  	v19 =	vld [tilespmem:s17+$0xFFFFFF70];
	v5 =	vadd.f32 v17, v5;
	v13 =	vadd.f32 v18, v13;
	v6 =	vperm.xlane v0, v6  }
0x245: {  	v17 =	vld [tilespmem:s17+$0xFFFFFF80];
	v7 =	vadd.f32 v7, v16;
	v11 =	vadd.f32 v11, v15;
	v8 =	vperm.xlane v0, v8  }
0x246: {  	v15 =	vld [tilespmem:s17+$0xFFFFFE70];
	v5 =	vadd.f32 v14, v5;
	v6 =	vadd.f32 v6, v13;
	v9 =	vperm.xlane v0, v9  }
0x247: {  	v14 =	vld [tilespmem:s17+$0xFFFFFE80];
	v4 =	vadd.f32 v4, v7;
	v3 =	vadd.f32 v3, v11;
	v7 =	vperm.xlane v0, v10  }
0x248: {  	v10 =	vld [tilespmem:s17+$0xFFFFFD70];
	v5 =	vadd.f32 v8, v5;
	v6 =	vadd.f32 v9, v6;
	v8 =	vperm.xlane v0, v12  }
0x249: {  	v9 =	vld [tilespmem:s17+$0xFFFFFD80];
	v12 =	vadd.f32 v2, v4;
	v20 =	vadd.f32 v1, v3  }
0x24a: {  	v16 =	vld [tilespmem:s17+$0xFFFFFC70];
	v5 =	vadd.f32 v7, v5;
	v13 =	vadd.f32 v8, v6  }
0x24b: {  	v18 =	vld [tilespmem:s17+$0xFFFFFC80]  }
0x24c: {  	v21 =	vld [tilespmem:s17+$0xFFFFFCF0]  }
0x24d: {  	s16 =	sadd.s32 $0x8, s16;
	v22 =	vld [tilespmem:s17+$0xFFFFFD00]  }
0x24e: {  	p0 =	slt.u32 s16, $0xC0;
	v2 =	vperm.xlane v0, v19;
	v1 =	vperm.xlane v0, v17;
	v23 =	vld [tilespmem:s17+$0xFFFFFDF0]  }
.Ltmp12:
0x24f: {  	v4 =	vperm.xlane v0, v15;
	v3 =	vperm.xlane v0, v14;
	v6 =	vld [tilespmem:s17+$0xFFFFFE00];
	(pc) =	sbr.rel @p0 .LBB2_26-.Ltmp12, $4  }
0x250: {  	v7 =	vperm.xlane v0, v10;
	v11 =	vperm.xlane v0, v9;
	v8 =	vld [tilespmem:s17+$0xFFFFFEF0]  }
0x251: {  	v14 =	vperm.xlane v0, v16;
	v15 =	vperm.xlane v0, v18;
	v9 =	vld [tilespmem:s17+$0xFFFFFF00]  }
0x252: {  	v17 =	vperm.xlane v0, v21;
	v18 =	vperm.xlane v0, v22;
	v10 =	vld [tilespmem:s17+$0xFFFFFFF0]  }
0x253: {  	v16 =	vadd.f32 v14, v12;
	v15 =	vadd.f32 v15, v20;
	v14 =	vperm.xlane v0, v23;
	v12 =	vld [tilespmem:s17+$0x0];
	s17 =	sadd.s32 $0x1000, s17  }
0x254: {  	v5 =	vadd.f32 v17, v5  }
0x255: {  	v13 =	vadd.f32 v18, v13;
	v6 =	vperm.xlane v0, v6  }
0x256: {  	v7 =	vadd.f32 v7, v16;
	v8 =	vperm.xlane v0, v8;
	v5 =	vadd.f32 v14, v5  }
0x257: {  	v11 =	vadd.f32 v11, v15;
	v6 =	vadd.f32 v6, v13;
	v9 =	vperm.xlane v0, v9  }
0x258: {  	v4 =	vadd.f32 v4, v7;
	v7 =	vperm.xlane v0, v10;
	v5 =	vadd.f32 v8, v5  }
0x259: {  	v3 =	vadd.f32 v3, v11;
	v6 =	vadd.f32 v9, v6;
	v8 =	vperm.xlane v0, v12  }
0x25a: {  	v2 =	vadd.f32 v2, v4;
	v4 =	vadd.f32 v7, v5  }
0x25b: {  	v1 =	vadd.f32 v1, v3;
	v3 =	vadd.f32 v8, v6  }
0x25c: {  	v2 =	vadd.f32 v4, v2  }
0x25d: {  	v1 =	vadd.f32 v3, v1  }
0x25e: {  	[tilespmem:$0x19200] =	vst v2  }
0x25f: {  	s17 =	simm.s32 $0xFB0;
	[tilespmem:$0x19210] =	vst v1  }
0x260: {  	v1 =	vld [tilespmem:s17+$0xFFFFFF70]  }
0x261: {  	v3 =	vld [tilespmem:s17+$0xFFFFFF80]  }
0x262: {  	v4 =	vld [tilespmem:s17+$0xFFFFFE70]  }
0x263: {  	v5 =	vld [tilespmem:s17+$0xFFFFFE80]  }
0x264: {  	v7 =	vld [tilespmem:s17+$0xFFFFFD70]  }
0x265: {  	v9 =	vld [tilespmem:s17+$0xFFFFFD80]  }
0x266: {  	v10 =	vld [tilespmem:s17+$0xFFFFFC70]  }
0x267: {  	v12 =	vld [tilespmem:s17+$0xFFFFFC80]  }
0x268: {  	v13 =	vld [tilespmem:s17+$0xFFFFFCF0]  }
0x269: {  	v14 =	vld [tilespmem:s17+$0xFFFFFD00]  }
0x26a: {  	v19 =	vld [tilespmem:s17+$0xFFFFFDF0];
	v2 =	vperm.xlane v0, v1  }
0x26b: {  	v1 =	vperm.xlane v0, v3;
	v4 =	vperm.xlane v0, v4  }
0x26c: {  	v6 =	vld [tilespmem:s17+$0xFFFFFE00];
	v3 =	vperm.xlane v0, v5;
	v7 =	vperm.xlane v0, v7  }
0x26d: {  	v8 =	vld [tilespmem:s17+$0xFFFFFEF0];
	v15 =	vperm.xlane v0, v10;
	v11 =	vperm.xlane v0, v9  }
0x26e: {  	v12 =	vperm.xlane v0, v12;
	v9 =	vld [tilespmem:s17+$0xFFFFFF00];
	v17 =	vperm.xlane v0, v13  }
0x26f: {  	v5 =	vimm.f32 $0.0e+00;
	v18 =	vperm.xlane v0, v14;
	v10 =	vld [tilespmem:s17+$0xFFFFFFF0];
	v14 =	vperm.xlane v0, v19  }
0x270: {  	s16 =	simm.s32 $0x0;
	v13 =	vimm.f32 $0.0e+00;
	v16 =	vadd.f32 v15, v5;
	v15 =	vadd.f32 v12, v5;
	v12 =	vld [tilespmem:s17+$0x0];
	s17 =	simm.s32 $0x1FB0  }
.LBB2_28:
0x271: {  	v19 =	vld [tilespmem:s17+$0xFFFFFF70];
	v5 =	vadd.f32 v17, v5;
	v13 =	vadd.f32 v18, v13;
	v6 =	vperm.xlane v0, v6  }
0x272: {  	v17 =	vld [tilespmem:s17+$0xFFFFFF80];
	v7 =	vadd.f32 v7, v16;
	v11 =	vadd.f32 v11, v15;
	v8 =	vperm.xlane v0, v8  }
0x273: {  	v15 =	vld [tilespmem:s17+$0xFFFFFE70];
	v5 =	vadd.f32 v14, v5;
	v6 =	vadd.f32 v6, v13;
	v9 =	vperm.xlane v0, v9  }
0x274: {  	v14 =	vld [tilespmem:s17+$0xFFFFFE80];
	v4 =	vadd.f32 v4, v7;
	v3 =	vadd.f32 v3, v11;
	v7 =	vperm.xlane v0, v10  }
0x275: {  	v10 =	vld [tilespmem:s17+$0xFFFFFD70];
	v5 =	vadd.f32 v8, v5;
	v6 =	vadd.f32 v9, v6;
	v8 =	vperm.xlane v0, v12  }
0x276: {  	v9 =	vld [tilespmem:s17+$0xFFFFFD80];
	v12 =	vadd.f32 v2, v4;
	v20 =	vadd.f32 v1, v3  }
0x277: {  	v16 =	vld [tilespmem:s17+$0xFFFFFC70];
	v5 =	vadd.f32 v7, v5;
	v13 =	vadd.f32 v8, v6  }
0x278: {  	v18 =	vld [tilespmem:s17+$0xFFFFFC80]  }
0x279: {  	v21 =	vld [tilespmem:s17+$0xFFFFFCF0]  }
0x27a: {  	s16 =	sadd.s32 $0x8, s16;
	v22 =	vld [tilespmem:s17+$0xFFFFFD00]  }
0x27b: {  	p0 =	slt.u32 s16, $0xC0;
	v2 =	vperm.xlane v0, v19;
	v1 =	vperm.xlane v0, v17;
	v23 =	vld [tilespmem:s17+$0xFFFFFDF0]  }
.Ltmp13:
0x27c: {  	v4 =	vperm.xlane v0, v15;
	v3 =	vperm.xlane v0, v14;
	v6 =	vld [tilespmem:s17+$0xFFFFFE00];
	(pc) =	sbr.rel @p0 .LBB2_28-.Ltmp13, $4  }
0x27d: {  	v7 =	vperm.xlane v0, v10;
	v11 =	vperm.xlane v0, v9;
	v8 =	vld [tilespmem:s17+$0xFFFFFEF0]  }
0x27e: {  	v14 =	vperm.xlane v0, v16;
	v15 =	vperm.xlane v0, v18;
	v9 =	vld [tilespmem:s17+$0xFFFFFF00]  }
0x27f: {  	v17 =	vperm.xlane v0, v21;
	v18 =	vperm.xlane v0, v22;
	v10 =	vld [tilespmem:s17+$0xFFFFFFF0]  }
0x280: {  	v16 =	vadd.f32 v14, v12;
	v15 =	vadd.f32 v15, v20;
	v14 =	vperm.xlane v0, v23;
	v12 =	vld [tilespmem:s17+$0x0];
	s17 =	sadd.s32 $0x1000, s17  }
0x281: {  	v5 =	vadd.f32 v17, v5  }
0x282: {  	v13 =	vadd.f32 v18, v13;
	v6 =	vperm.xlane v0, v6  }
0x283: {  	v7 =	vadd.f32 v7, v16;
	v8 =	vperm.xlane v0, v8;
	v5 =	vadd.f32 v14, v5  }
0x284: {  	v11 =	vadd.f32 v11, v15;
	v6 =	vadd.f32 v6, v13;
	v9 =	vperm.xlane v0, v9  }
0x285: {  	v4 =	vadd.f32 v4, v7;
	v7 =	vperm.xlane v0, v10;
	v5 =	vadd.f32 v8, v5  }
0x286: {  	v3 =	vadd.f32 v3, v11;
	v6 =	vadd.f32 v9, v6;
	v8 =	vperm.xlane v0, v12  }
0x287: {  	v2 =	vadd.f32 v2, v4;
	v4 =	vadd.f32 v7, v5  }
0x288: {  	v1 =	vadd.f32 v1, v3;
	v3 =	vadd.f32 v8, v6  }
0x289: {  	v2 =	vadd.f32 v4, v2  }
0x28a: {  	v1 =	vadd.f32 v3, v1  }
0x28b: {  	[tilespmem:$0x19220] =	vst v2  }
0x28c: {  	s17 =	simm.s32 $0xFD0;
	[tilespmem:$0x19230] =	vst v1  }
0x28d: {  	v1 =	vld [tilespmem:s17+$0xFFFFFF70]  }
0x28e: {  	v3 =	vld [tilespmem:s17+$0xFFFFFF80]  }
0x28f: {  	v4 =	vld [tilespmem:s17+$0xFFFFFE70]  }
0x290: {  	v5 =	vld [tilespmem:s17+$0xFFFFFE80]  }
0x291: {  	v7 =	vld [tilespmem:s17+$0xFFFFFD70]  }
0x292: {  	v9 =	vld [tilespmem:s17+$0xFFFFFD80]  }
0x293: {  	v10 =	vld [tilespmem:s17+$0xFFFFFC70]  }
0x294: {  	v12 =	vld [tilespmem:s17+$0xFFFFFC80]  }
0x295: {  	v13 =	vld [tilespmem:s17+$0xFFFFFCF0]  }
0x296: {  	v14 =	vld [tilespmem:s17+$0xFFFFFD00]  }
0x297: {  	v19 =	vld [tilespmem:s17+$0xFFFFFDF0];
	v2 =	vperm.xlane v0, v1  }
0x298: {  	v1 =	vperm.xlane v0, v3;
	v4 =	vperm.xlane v0, v4  }
0x299: {  	v6 =	vld [tilespmem:s17+$0xFFFFFE00];
	v3 =	vperm.xlane v0, v5;
	v7 =	vperm.xlane v0, v7  }
0x29a: {  	v8 =	vld [tilespmem:s17+$0xFFFFFEF0];
	v15 =	vperm.xlane v0, v10;
	v11 =	vperm.xlane v0, v9  }
0x29b: {  	v12 =	vperm.xlane v0, v12;
	v9 =	vld [tilespmem:s17+$0xFFFFFF00];
	v17 =	vperm.xlane v0, v13  }
0x29c: {  	v5 =	vimm.f32 $0.0e+00;
	v18 =	vperm.xlane v0, v14;
	v10 =	vld [tilespmem:s17+$0xFFFFFFF0];
	v14 =	vperm.xlane v0, v19  }
0x29d: {  	s16 =	simm.s32 $0x0;
	v13 =	vimm.f32 $0.0e+00;
	v16 =	vadd.f32 v15, v5;
	v15 =	vadd.f32 v12, v5;
	v12 =	vld [tilespmem:s17+$0x0];
	s17 =	simm.s32 $0x1FD0  }
.LBB2_30:
0x29e: {  	v19 =	vld [tilespmem:s17+$0xFFFFFF70];
	v5 =	vadd.f32 v17, v5;
	v13 =	vadd.f32 v18, v13;
	v6 =	vperm.xlane v0, v6  }
0x29f: {  	v17 =	vld [tilespmem:s17+$0xFFFFFF80];
	v7 =	vadd.f32 v7, v16;
	v11 =	vadd.f32 v11, v15;
	v8 =	vperm.xlane v0, v8  }
0x2a0: {  	v15 =	vld [tilespmem:s17+$0xFFFFFE70];
	v5 =	vadd.f32 v14, v5;
	v6 =	vadd.f32 v6, v13;
	v9 =	vperm.xlane v0, v9  }
0x2a1: {  	v14 =	vld [tilespmem:s17+$0xFFFFFE80];
	v4 =	vadd.f32 v4, v7;
	v3 =	vadd.f32 v3, v11;
	v7 =	vperm.xlane v0, v10  }
0x2a2: {  	v10 =	vld [tilespmem:s17+$0xFFFFFD70];
	v5 =	vadd.f32 v8, v5;
	v6 =	vadd.f32 v9, v6;
	v8 =	vperm.xlane v0, v12  }
0x2a3: {  	v9 =	vld [tilespmem:s17+$0xFFFFFD80];
	v12 =	vadd.f32 v2, v4;
	v20 =	vadd.f32 v1, v3  }
0x2a4: {  	v16 =	vld [tilespmem:s17+$0xFFFFFC70];
	v5 =	vadd.f32 v7, v5;
	v13 =	vadd.f32 v8, v6  }
0x2a5: {  	v18 =	vld [tilespmem:s17+$0xFFFFFC80]  }
0x2a6: {  	v21 =	vld [tilespmem:s17+$0xFFFFFCF0]  }
0x2a7: {  	s16 =	sadd.s32 $0x8, s16;
	v22 =	vld [tilespmem:s17+$0xFFFFFD00]  }
0x2a8: {  	p0 =	slt.u32 s16, $0xC0;
	v2 =	vperm.xlane v0, v19;
	v1 =	vperm.xlane v0, v17;
	v23 =	vld [tilespmem:s17+$0xFFFFFDF0]  }
.Ltmp14:
0x2a9: {  	v4 =	vperm.xlane v0, v15;
	v3 =	vperm.xlane v0, v14;
	v6 =	vld [tilespmem:s17+$0xFFFFFE00];
	(pc) =	sbr.rel @p0 .LBB2_30-.Ltmp14, $4  }
0x2aa: {  	v7 =	vperm.xlane v0, v10;
	v11 =	vperm.xlane v0, v9;
	v8 =	vld [tilespmem:s17+$0xFFFFFEF0]  }
0x2ab: {  	v14 =	vperm.xlane v0, v16;
	v15 =	vperm.xlane v0, v18;
	v9 =	vld [tilespmem:s17+$0xFFFFFF00]  }
0x2ac: {  	v17 =	vperm.xlane v0, v21;
	v18 =	vperm.xlane v0, v22;
	v10 =	vld [tilespmem:s17+$0xFFFFFFF0]  }
0x2ad: {  	v16 =	vadd.f32 v14, v12;
	v15 =	vadd.f32 v15, v20;
	v14 =	vperm.xlane v0, v23;
	v12 =	vld [tilespmem:s17+$0x0];
	s17 =	sadd.s32 $0x1000, s17  }
0x2ae: {  	v5 =	vadd.f32 v17, v5  }
0x2af: {  	v13 =	vadd.f32 v18, v13;
	v6 =	vperm.xlane v0, v6  }
0x2b0: {  	v7 =	vadd.f32 v7, v16;
	v8 =	vperm.xlane v0, v8;
	v5 =	vadd.f32 v14, v5  }
0x2b1: {  	v11 =	vadd.f32 v11, v15;
	v6 =	vadd.f32 v6, v13;
	v9 =	vperm.xlane v0, v9  }
0x2b2: {  	v4 =	vadd.f32 v4, v7;
	v7 =	vperm.xlane v0, v10;
	v5 =	vadd.f32 v8, v5  }
0x2b3: {  	v3 =	vadd.f32 v3, v11;
	v6 =	vadd.f32 v9, v6;
	v8 =	vperm.xlane v0, v12  }
0x2b4: {  	v2 =	vadd.f32 v2, v4;
	v4 =	vadd.f32 v7, v5  }
0x2b5: {  	v1 =	vadd.f32 v1, v3;
	v3 =	vadd.f32 v8, v6  }
0x2b6: {  	v2 =	vadd.f32 v4, v2  }
0x2b7: {  	v1 =	vadd.f32 v3, v1  }
0x2b8: {  	[tilespmem:$0x19240] =	vst v2  }
0x2b9: {  	s17 =	simm.s32 $0xFF0;
	[tilespmem:$0x19250] =	vst v1  }
0x2ba: {  	v1 =	vld [tilespmem:s17+$0xFFFFFF70]  }
0x2bb: {  	v3 =	vld [tilespmem:s17+$0xFFFFFF80]  }
0x2bc: {  	v4 =	vld [tilespmem:s17+$0xFFFFFE70]  }
0x2bd: {  	v5 =	vld [tilespmem:s17+$0xFFFFFE80]  }
0x2be: {  	v7 =	vld [tilespmem:s17+$0xFFFFFD70]  }
0x2bf: {  	v9 =	vld [tilespmem:s17+$0xFFFFFD80]  }
0x2c0: {  	v10 =	vld [tilespmem:s17+$0xFFFFFC70]  }
0x2c1: {  	v12 =	vld [tilespmem:s17+$0xFFFFFC80]  }
0x2c2: {  	v13 =	vld [tilespmem:s17+$0xFFFFFCF0]  }
0x2c3: {  	v14 =	vld [tilespmem:s17+$0xFFFFFD00]  }
0x2c4: {  	v19 =	vld [tilespmem:s17+$0xFFFFFDF0];
	v2 =	vperm.xlane v0, v1  }
0x2c5: {  	v1 =	vperm.xlane v0, v3;
	v4 =	vperm.xlane v0, v4  }
0x2c6: {  	v6 =	vld [tilespmem:s17+$0xFFFFFE00];
	v3 =	vperm.xlane v0, v5;
	v7 =	vperm.xlane v0, v7  }
0x2c7: {  	v8 =	vld [tilespmem:s17+$0xFFFFFEF0];
	v15 =	vperm.xlane v0, v10;
	v11 =	vperm.xlane v0, v9  }
0x2c8: {  	v12 =	vperm.xlane v0, v12;
	v9 =	vld [tilespmem:s17+$0xFFFFFF00];
	v17 =	vperm.xlane v0, v13  }
0x2c9: {  	v5 =	vimm.f32 $0.0e+00;
	v18 =	vperm.xlane v0, v14;
	v10 =	vld [tilespmem:s17+$0xFFFFFFF0];
	v14 =	vperm.xlane v0, v19  }
0x2ca: {  	s16 =	simm.s32 $0x0;
	v13 =	vimm.f32 $0.0e+00;
	v16 =	vadd.f32 v15, v5;
	v15 =	vadd.f32 v12, v5;
	v12 =	vld [tilespmem:s17+$0x0];
	s17 =	simm.s32 $0x1FF0  }
.LBB2_32:
0x2cb: {  	v19 =	vld [tilespmem:s17+$0xFFFFFF70];
	v5 =	vadd.f32 v17, v5;
	v13 =	vadd.f32 v18, v13;
	v6 =	vperm.xlane v0, v6  }
0x2cc: {  	v17 =	vld [tilespmem:s17+$0xFFFFFF80];
	v7 =	vadd.f32 v7, v16;
	v11 =	vadd.f32 v11, v15;
	v8 =	vperm.xlane v0, v8  }
0x2cd: {  	v15 =	vld [tilespmem:s17+$0xFFFFFE70];
	v5 =	vadd.f32 v14, v5;
	v6 =	vadd.f32 v6, v13;
	v9 =	vperm.xlane v0, v9  }
0x2ce: {  	v14 =	vld [tilespmem:s17+$0xFFFFFE80];
	v4 =	vadd.f32 v4, v7;
	v3 =	vadd.f32 v3, v11;
	v7 =	vperm.xlane v0, v10  }
0x2cf: {  	v10 =	vld [tilespmem:s17+$0xFFFFFD70];
	v5 =	vadd.f32 v8, v5;
	v6 =	vadd.f32 v9, v6;
	v8 =	vperm.xlane v0, v12  }
0x2d0: {  	v9 =	vld [tilespmem:s17+$0xFFFFFD80];
	v12 =	vadd.f32 v2, v4;
	v20 =	vadd.f32 v1, v3  }
0x2d1: {  	v16 =	vld [tilespmem:s17+$0xFFFFFC70];
	v5 =	vadd.f32 v7, v5;
	v13 =	vadd.f32 v8, v6  }
0x2d2: {  	v18 =	vld [tilespmem:s17+$0xFFFFFC80]  }
0x2d3: {  	v21 =	vld [tilespmem:s17+$0xFFFFFCF0]  }
0x2d4: {  	s16 =	sadd.s32 $0x8, s16;
	v22 =	vld [tilespmem:s17+$0xFFFFFD00]  }
0x2d5: {  	p0 =	slt.u32 s16, $0xC0;
	v2 =	vperm.xlane v0, v19;
	v1 =	vperm.xlane v0, v17;
	v23 =	vld [tilespmem:s17+$0xFFFFFDF0]  }
.Ltmp15:
0x2d6: {  	v4 =	vperm.xlane v0, v15;
	v3 =	vperm.xlane v0, v14;
	v6 =	vld [tilespmem:s17+$0xFFFFFE00];
	(pc) =	sbr.rel @p0 .LBB2_32-.Ltmp15, $4  }
0x2d7: {  	v7 =	vperm.xlane v0, v10;
	v11 =	vperm.xlane v0, v9;
	v8 =	vld [tilespmem:s17+$0xFFFFFEF0]  }
0x2d8: {  	v14 =	vperm.xlane v0, v16;
	v15 =	vperm.xlane v0, v18;
	v9 =	vld [tilespmem:s17+$0xFFFFFF00]  }
0x2d9: {  	v17 =	vperm.xlane v0, v21;
	v18 =	vperm.xlane v0, v22;
	v10 =	vld [tilespmem:s17+$0xFFFFFFF0]  }
0x2da: {  	v16 =	vadd.f32 v14, v12;
	v15 =	vadd.f32 v15, v20;
	v14 =	vperm.xlane v0, v23;
	v12 =	vld [tilespmem:s17+$0x0];
	s17 =	sadd.s32 $0x1000, s17  }
0x2db: {  	v5 =	vadd.f32 v17, v5  }
0x2dc: {  	v13 =	vadd.f32 v18, v13;
	v6 =	vperm.xlane v0, v6  }
0x2dd: {  	v7 =	vadd.f32 v7, v16;
	v8 =	vperm.xlane v0, v8;
	v5 =	vadd.f32 v14, v5  }
0x2de: {  	v11 =	vadd.f32 v11, v15;
	v6 =	vadd.f32 v6, v13;
	v9 =	vperm.xlane v0, v9  }
0x2df: {  	v4 =	vadd.f32 v4, v7;
	v61 =	vperm.xlane v0, v10;
	v5 =	vadd.f32 v8, v5  }
0x2e0: {  	v3 =	vadd.f32 v3, v11;
	v6 =	vadd.f32 v9, v6;
	v62 =	vperm.xlane v0, v12  }
0x2e1: {  	v2 =	vadd.f32 v2, v4;
	v63 =	vadd.f32 v61, v5  }
0x2e2: {  	v1 =	vadd.f32 v1, v3;
	v0 =	vadd.f32 v62, v6  }
0x2e3: {  	v2 =	vadd.f32 v63, v2  }
0x2e4: {  	v0 =	vadd.f32 v0, v1  }
0x2e5: {  	[tilespmem:$0x19260] =	vst v2  }
0x2e6: {  	s15 =	sadd.s32 $0x1, s15;
	[tilespmem:$0x19270] =	vst v0  }
0x2e7: {  	[hbm4b:s6+s2] =	stream.linear.scatter [tilespmem:s13], [sflag:$0x3], $0x200, $0x38;
	[tilespmem:$0x19280] =	vst v63  }
0x2e8: {  	p0 =	sne.s32 s15, s7;
	_ =	swait.ge [sflag:s9], $0x200  }
.Ltmp16:
0x2e9: {  	[sflag:s9] =	ssyncset.done $0x0;
	(pc) =	sbr.rel @p0 .LBB2_1-.Ltmp16, $4  }
0x2ea: {  	[sflag:s9] =	ssyncadd.s32 $0xFFFFFE00  }
0x2eb: {  	_ =	swait.ge [sflag:s14], $0x19000  }
0x2ec: {  	[sflag:s14] =	ssyncset.done $0x0  }
0x2ed: {  	[sflag:s14] =	ssyncadd.s32 $0xFFFE7000  }
0x2ee: {  	_ =	sfence.sel $0x180000  }
0x2ef: {  	[bflag:$0x0] =	sbarrier.arrive $0xFFFF  }
0x2f0: {  	p0 =	sne.s32 s1, $0x0;
	_ =	strace $0x90000047  }
0x2f1: {  	s0 =	sadd.s32 @!p0 $0x100000, s0;
	[bflag:$0x2] =	sbarrier.arrive $0xFFFF  }
0x2f2: {  	[sflag:s0] =	ssyncadd.tile.s32 @!p0 $0x1;
	_ =	shalt  }
.Lfunc_end2:
_tile_overlayer_lowered:
.L_overlay_start_2:
0x2f3: {  	(tag) =	ssettag $0x2  }
0x2f4: {  	s0 =	rddreg [dreg:$0x0];
	s2 =	stileid.u32  }
0x2f5: {  	s1 =	rddreg [dreg:$0x1];
	p0 =	sne.s32 s2, $0x0  }
0x2f6: {  	s3 =	rddreg [dreg:$0x2];
	[bflag:$0x3] =	sbarrier.arrive $0xFFFF;
	s2 =	simm.s32 @!p0 $0x1C03  }
0x2f7: {  	[timem:s3], [sflag:s2] =	dma.local @!p0 [hbm:s0], s1  }
0x2f8: {  	s0 =	simm.s32 @!p0 $0x3  }
0x2f9: {  	_ =	swait.ge @!p0 [sflag:s0], s1  }
0x2fa: {  	s1 =	ssub.s32 @!p0 $0x0, s1;
	[sflag:s0] =	ssyncset.done @!p0 $0x0  }
0x2fb: {  	[sflag:s0] =	ssyncadd.s32 @!p0 s1  }
0x2fc: {  	[bflag:$0x3] =	sbarrier.arrive $0xFFFF  }
0x2fd: {  	_ =	shalt  }

</sc_bundles>
